<compile_context>
chip_gen: v7x
topology: tpu7x:2x2x1
jax: 0.10.2.dev20260603
libtpu: 0.0.44.dev20260713+nightly
codegen_flags: <defaults>
</compile_context>

<pallas_src>
import functools

import numpy as np
import jax
import jax.numpy as jnp
from jax import lax
from jax.experimental import pallas as pl
from jax.experimental.pallas import tpu as pltpu
from jax.experimental.pallas import tpu_sc as plsc

_NUM_PATCHES = 16
_STALK = 64
_THRESHOLD = 0.5


def _edges():
    src, dst = [], []
    for i in range(_NUM_PATCHES):
        for j in range(i + 1, _NUM_PATCHES):
            src.extend([i, j])
            dst.extend([j, i])
    return np.array(src, dtype=np.int32), np.array(dst, dtype=np.int32)


_SRC, _DST = _edges()
_NE = _SRC.shape[0]
_NPAIR = _NE // 2
_NPAIR_PAD = 128
_NTRIPLES = 3360

_PAIR_IJ = np.zeros((_NPAIR_PAD, 16), dtype=np.int32)
_PAIR_IJ[:_NPAIR, 0] = _SRC[0::2]
_PAIR_IJ[:_NPAIR, 1] = _SRC[1::2]

_PAIR_MASK = ((_DST[:, None] == _DST[None, :])
              & (np.arange(_NE)[:, None] != np.arange(_NE)[None, :])
              ).astype(np.float32)

_HI = jax.lax.Precision.HIGHEST

_SC_MESH = plsc.VectorSubcoreMesh(core_axis_name="c", subcore_axis_name="s",
                                  num_cores=1)
_NW = 16
_PAIRS_PER_W = 8
_LANES = 16


def _cocycle_sc(rhoT_hbm, patches_hbm, ij_hbm, d2_hbm,
                rt_v, patches_v, ij_v, out_v):
    wid = lax.axis_index("s")
    pltpu.sync_copy(patches_hbm, patches_v)
    pltpu.sync_copy(ij_hbm, ij_v)

    for l in range(_PAIRS_PER_W):
        out_v[l, :] = jnp.zeros((_LANES,), jnp.float32)

    def pair_body(l, carry):
        p = wid * _PAIRS_PER_W + l
        b = lax.rem(l, 4)

        @pl.when(b == 0)
        def _stage():
            pltpu.sync_copy(rhoT_hbm.at[pl.ds(p * 2, 8)], rt_v)

        ij = ij_v[p, :]
        i = ij[0]
        j = ij[1]

        s0c = [patches_v[i, pl.ds(dc * 16, 16)] for dc in range(4)]
        s1c = [patches_v[j, pl.ds(dc * 16, 16)] for dc in range(4)]

        def q_body(q, y):
            idx = jnp.full((_LANES,), q, jnp.int32)
            y = list(y)
            for dc in range(4):
                s0 = s0c[dc].at[idx].get(mode='promise_in_bounds')
                s1 = s1c[dc].at[idx].get(mode='promise_in_bounds')
                d = dc * 16 + q
                for c in range(4):
                    y[c] = y[c] + rt_v[2 * b, d, pl.ds(c * 16, 16)] * s0
                    y[4 + c] = (y[4 + c]
                                + rt_v[2 * b + 1, d, pl.ds(c * 16, 16)] * s1)
            return tuple(y)

        y = lax.fori_loop(
            0, 16, q_body,
            tuple(jnp.zeros((_LANES,), jnp.float32) for _ in range(8)))
        acc = jnp.zeros((_LANES,), jnp.float32)
        for c in range(4):
            z = y[c] - y[4 + c]
            acc = acc + z * z
        out_v[l, :] = acc
        return carry

    @pl.when(wid < _NPAIR // _PAIRS_PER_W)
    def _():
        lax.fori_loop(0, _PAIRS_PER_W, pair_body, 0)

    pltpu.sync_copy(out_v, d2_hbm.at[pl.ds(wid * _PAIRS_PER_W, _PAIRS_PER_W)])


@functools.partial(
    pl.kernel,
    out_type=jax.ShapeDtypeStruct((_NPAIR_PAD, _LANES), jnp.float32),
    mesh=_SC_MESH,
    scratch_types=[
        pltpu.VMEM((8, _STALK, _STALK), jnp.float32),
        pltpu.VMEM((_NUM_PATCHES, _STALK), jnp.float32),
        pltpu.VMEM((_NPAIR_PAD, _LANES), jnp.int32),
        pltpu.VMEM((_PAIRS_PER_W, _LANES), jnp.float32),
    ],
)
def _cocycle_sc_call(rhoT, patches, ij, d2_out, rt_v, patches_v, ij_v, out_v):
    _cocycle_sc(rhoT, patches, ij, d2_out, rt_v, patches_v, ij_v, out_v)


def _dense_tc_kernel(patches_ref, rho2_ref, w_ref, mask_ref,
                     comp_ref, gsec_ref):
    patches = patches_ref[...]
    rho2 = rho2_ref[...]

    g = jax.lax.dot_general(
        rho2, rho2,
        dimension_numbers=(((1,), (1,)), ((), ())), precision=_HI)
    rr = lax.broadcasted_iota(jnp.int32, (_NE, _NE), 0)
    cc = lax.broadcasted_iota(jnp.int32, (_NE, _NE), 1)
    eye = (rr == cc).astype(jnp.float32)
    n_row = jnp.sum(g * eye, axis=1, keepdims=True)
    n_col = jnp.sum(g * eye, axis=0, keepdims=True)
    v2 = jnp.maximum(n_row + n_col - 2.0 * g, 0.0)
    comp_ref[...] = jnp.broadcast_to(
        jnp.sum(jnp.sqrt(v2) * mask_ref[...]) / _NTRIPLES, (1, 1))

    m = jnp.sum(patches, axis=0, keepdims=True) / _NUM_PATCHES
    gsec_ref[...] = jax.lax.dot_general(
        m, w_ref[...],
        dimension_numbers=(((1,), (1,)), ((), ())), precision=_HI)


def _defect_epilogue_kernel(d2_ref, defects_ref, scalars_ref):
    d2 = jnp.sum(d2_ref[...], axis=-1, keepdims=True)[0:_NPAIR]
    dv = jnp.sqrt(d2)
    defects_ref[...] = jnp.broadcast_to(dv, (_NPAIR, 2))
    max_defect = jnp.max(dv)
    mean_defect = jnp.sum(dv) / _NPAIR
    consistency = jnp.exp(-mean_defect / _THRESHOLD)
    scalars_ref[...] = jnp.concatenate(
        [jnp.broadcast_to(v, (1, 1)) for v in
         (max_defect, mean_defect, consistency)], axis=1)


def kernel(patches, restriction_maps, W):
    patches = patches.astype(jnp.float32)
    rho3 = restriction_maps.astype(jnp.float32)
    mask = jnp.asarray(_PAIR_MASK)

    rhoT = jnp.swapaxes(rho3, 1, 2)
    rho2 = rhoT.reshape(_NE, _STALK * _STALK)

    d2 = _cocycle_sc_call(rhoT, patches, jnp.asarray(_PAIR_IJ))

    comp, gsec = pl.pallas_call(
        _dense_tc_kernel,
        out_shape=(
            jax.ShapeDtypeStruct((1, 1), jnp.float32),
            jax.ShapeDtypeStruct((1, _STALK), jnp.float32),
        ),
    )(patches, rho2, W.astype(jnp.float32), mask)

    defects2, scalars = pl.pallas_call(
        _defect_epilogue_kernel,
        out_shape=(
            jax.ShapeDtypeStruct((_NPAIR, 2), jnp.float32),
            jax.ShapeDtypeStruct((1, 3), jnp.float32),
        ),
    )(d2)

    defects = defects2.reshape(_NE)
    max_defect = scalars[0, 0]
    mean_defect = scalars[0, 1]
    consistency = scalars[0, 2]
    comp_defect = comp[0, 0]
    global_section = gsec.reshape(_STALK)
    gluing_satisfied = max_defect < _THRESHOLD
    return (defects, max_defect, mean_defect, consistency, comp_defect,
            global_section, gluing_satisfied)

# --- scband reference (transcript-rebuilt; emitter-appended) ---
"""Pipeline reference for scband-sheaf-gluing-validator-8924942041560 (READ-ONLY COPY).

The authoritative reference and input builder live on the scoring server;
editing this copy changes nothing except your own understanding.
"""

import jax, jax.numpy as jnp
import numpy as np

NUM_PATCHES = 16
STALK_DIM = 64
RESTR_DIM = 64
THRESHOLD = 0.5


def _build_edges():
    src, dst = [], []
    for i in range(NUM_PATCHES):
        for j in range(i + 1, NUM_PATCHES):
            src.extend([i, j])
            dst.extend([j, i])
    return np.array([src, dst], dtype=np.int64)


_EDGE_INDEX = _build_edges()
_NUM_EDGES = _EDGE_INDEX.shape[1]


def _build_triples():
    lookup = {}
    for idx in range(_NUM_EDGES):
        lookup[(int(_EDGE_INDEX[0, idx]), int(_EDGE_INDEX[1, idx]))] = idx
    ij, jk, ik = [], [], []
    n = NUM_PATCHES
    for i in range(n):
        for j in range(n):
            if i == j:
                continue
            for k in range(n):
                if k == i or k == j:
                    continue
                a = lookup.get((i, j)); b = lookup.get((j, k)); c = lookup.get((i, k))
                if a is None or b is None or c is None:
                    continue
                ij.append(a); jk.append(b); ik.append(c)
    return (np.array(ij, dtype=np.int64), np.array(jk, dtype=np.int64), np.array(ik, dtype=np.int64))


_IJ, _JK, _IK = _build_triples()


def setup_inputs(seed: int = 0) -> dict:
    key = jax.random.key(seed)
    k1, k2 = jax.random.split(key)
    patches = jax.random.normal(k1, (NUM_PATCHES, STALK_DIM), dtype=jnp.float32)
    A = jax.random.normal(k2, (_NUM_EDGES, STALK_DIM, STALK_DIM), dtype=jnp.float32)
    Q, _ = jnp.linalg.qr(A)  # orthogonal init per directed edge
    restriction_maps = Q[:, :RESTR_DIM, :]
    W = jnp.eye(STALK_DIM, dtype=jnp.float32)  # global_proj initialized to identity
    return {"patches": patches, "restriction_maps": restriction_maps, "W": W}


def reference(patches, restriction_maps, W):
    edge_index = jnp.asarray(_EDGE_INDEX)
    src, dst = edge_index[0], edge_index[1]
    num_edges = src.shape[0]
    # cocycle defect
    s_src = patches[src]
    restricted_src = jnp.einsum('erd,ed->er', restriction_maps, s_src)
    reverse_idx = jnp.arange(num_edges) ^ 1
    s_dst = patches[dst]
    restricted_dst = jnp.einsum('erd,ed->er', restriction_maps[reverse_idx], s_dst)
    defects = jnp.linalg.norm(restricted_src - restricted_dst, axis=1)
    max_defect = defects.max()
    mean_defect = defects.mean()
    consistency_score = jnp.exp(-mean_defect / max(THRESHOLD, 1e-8))
    # composition defect (restriction_dim == stalk_dim branch): rho_jk @ rho_ij.T @ rho_ij vs rho_ik
    rho_ij = restriction_maps[jnp.asarray(_IJ)]
    rho_jk = restriction_maps[jnp.asarray(_JK)]
    rho_ik = restriction_maps[jnp.asarray(_IK)]
    composed = jnp.matmul(jnp.matmul(rho_jk, jnp.swapaxes(rho_ij, -1, -2)), rho_ij)
    per_triple = jnp.linalg.norm((composed - rho_ik).reshape(composed.shape[0], -1), axis=1)
    comp_defect = per_triple.sum() / per_triple.shape[0]
    # glue global section
    projected = patches @ W.T
    global_section = projected.mean(axis=0)
    gluing_satisfied = max_defect < THRESHOLD
    return (defects, max_defect, mean_defect, consistency_score, comp_defect, global_section, gluing_satisfied)

if __name__ == "__main__":
    import jax
    _d = setup_inputs()
    print(jax.jit(kernel)(*tuple(_d.values())))

</pallas_src>

<mosaic_0001>
#map = affine_map<(d0, d1) -> (0, 0, 0)>
#map1 = affine_map<(d0, d1) -> (0, 0)>
module attributes {stable_mosaic.version = 14 : i64} {
  func.func @_cocycle_sc_call(%arg0: i32, %arg1: i32, %arg2: memref<240x64x64xf32, #tpu.memory_space<hbm>>, %arg3: memref<16x64xf32, #tpu.memory_space<hbm>>, %arg4: memref<128x16xi32, #tpu.memory_space<hbm>>, %arg5: memref<128x16xf32, #tpu.memory_space<hbm>>, %arg6: memref<8x64x64xf32, #tpu.memory_space<vmem>>, %arg7: memref<16x64xf32, #tpu.memory_space<vmem>>, %arg8: memref<128x16xi32, #tpu.memory_space<vmem>>, %arg9: memref<8x16xf32, #tpu.memory_space<vmem>>) attributes {dimension_semantics = [#tpu.dimension_semantics<core_parallel>, #tpu.dimension_semantics<subcore_parallel>], iteration_bounds = array<i64: 1, 16>, scalar_prefetch = 0 : i64, scratch_operands = 4 : i64, tpu.core_type = #tpu.core_type<sc_vector_subcore>, window_params = [{transform_indices = #map}, {transform_indices = #map1}, {transform_indices = #map1}, {transform_indices = #map1}]} {
    "tpu.region"() ({
      %run_scoped3A = tpu.sem_alloc : memref<!tpu.dma_semaphore, #tpu.memory_space<semaphore_mem>>
      tpu.enqueue_dma source(%arg3 : memref<16x64xf32, #tpu.memory_space<hbm>>) target(%arg7 : memref<16x64xf32, #tpu.memory_space<vmem>>) target_semaphore(%run_scoped3A : memref<!tpu.dma_semaphore, #tpu.memory_space<semaphore_mem>>)
      tpu.wait_dma2 semaphore(%run_scoped3A : memref<!tpu.dma_semaphore, #tpu.memory_space<semaphore_mem>>) src(%arg3 : memref<16x64xf32, #tpu.memory_space<hbm>>) dst(%arg7 : memref<16x64xf32, #tpu.memory_space<vmem>>)
      tpu.yield
    }) : () -> ()
    "tpu.region"() ({
      %run_scoped3A = tpu.sem_alloc : memref<!tpu.dma_semaphore, #tpu.memory_space<semaphore_mem>>
      tpu.enqueue_dma source(%arg4 : memref<128x16xi32, #tpu.memory_space<hbm>>) target(%arg8 : memref<128x16xi32, #tpu.memory_space<vmem>>) target_semaphore(%run_scoped3A : memref<!tpu.dma_semaphore, #tpu.memory_space<semaphore_mem>>)
      tpu.wait_dma2 semaphore(%run_scoped3A : memref<!tpu.dma_semaphore, #tpu.memory_space<semaphore_mem>>) src(%arg4 : memref<128x16xi32, #tpu.memory_space<hbm>>) dst(%arg8 : memref<128x16xi32, #tpu.memory_space<vmem>>)
      tpu.yield
    }) : () -> ()
    %broadcast_in_dim3A = arith.constant 0.000000e+00 : f32
    %broadcast_in_dim3A_0 = vector.broadcast %broadcast_in_dim3A : f32 to vector<16xf32>
    %swap3A = arith.constant 0 : i32
    %swap3A_1 = arith.index_cast %swap3A : i32 to index
    %swap3A_2 = arith.constant 0 : index
    %swap3A_3 = tpu.vector_load %arg9[%swap3A_1, %swap3A_2] {strides = array<i32>} : memref<8x16xf32, #tpu.memory_space<vmem>>, vector<1x16xf32>,
    %swap3A_4 = vector.shape_cast %swap3A_3 : vector<1x16xf32> to vector<16xf32>
    %swap3A_5 = vector.shape_cast %broadcast_in_dim3A_0 : vector<16xf32> to vector<1x16xf32>
    tpu.vector_store %arg9[%swap3A_1, %swap3A_2], %swap3A_5 {strides = array<i32>} : memref<8x16xf32, #tpu.memory_space<vmem>>, vector<1x16xf32>,
    %broadcast_in_dim3A_6 = arith.constant 0.000000e+00 : f32
    %broadcast_in_dim3A_7 = vector.broadcast %broadcast_in_dim3A_6 : f32 to vector<16xf32>
    %swap3A_8 = arith.constant 1 : i32
    %swap3A_9 = arith.index_cast %swap3A_8 : i32 to index
    %swap3A_10 = arith.constant 0 : index
    %swap3A_11 = tpu.vector_load %arg9[%swap3A_9, %swap3A_10] {strides = array<i32>} : memref<8x16xf32, #tpu.memory_space<vmem>>, vector<1x16xf32>,
    %swap3A_12 = vector.shape_cast %swap3A_11 : vector<1x16xf32> to vector<16xf32>
    %swap3A_13 = vector.shape_cast %broadcast_in_dim3A_7 : vector<16xf32> to vector<1x16xf32>
    tpu.vector_store %arg9[%swap3A_9, %swap3A_10], %swap3A_13 {strides = array<i32>} : memref<8x16xf32, #tpu.memory_space<vmem>>, vector<1x16xf32>,
    %broadcast_in_dim3A_14 = arith.constant 0.000000e+00 : f32
    %broadcast_in_dim3A_15 = vector.broadcast %broadcast_in_dim3A_14 : f32 to vector<16xf32>
    %swap3A_16 = arith.constant 2 : i32
    %swap3A_17 = arith.index_cast %swap3A_16 : i32 to index
    %swap3A_18 = arith.constant 0 : index
    %swap3A_19 = tpu.vector_load %arg9[%swap3A_17, %swap3A_18] {strides = array<i32>} : memref<8x16xf32, #tpu.memory_space<vmem>>, vector<1x16xf32>,
    %swap3A_20 = vector.shape_cast %swap3A_19 : vector<1x16xf32> to vector<16xf32>
    %swap3A_21 = vector.shape_cast %broadcast_in_dim3A_15 : vector<16xf32> to vector<1x16xf32>
    tpu.vector_store %arg9[%swap3A_17, %swap3A_18], %swap3A_21 {strides = array<i32>} : memref<8x16xf32, #tpu.memory_space<vmem>>, vector<1x16xf32>,
    %broadcast_in_dim3A_22 = arith.constant 0.000000e+00 : f32
    %broadcast_in_dim3A_23 = vector.broadcast %broadcast_in_dim3A_22 : f32 to vector<16xf32>
    %swap3A_24 = arith.constant 3 : i32
    %swap3A_25 = arith.index_cast %swap3A_24 : i32 to index
    %swap3A_26 = arith.constant 0 : index
    %swap3A_27 = tpu.vector_load %arg9[%swap3A_25, %swap3A_26] {strides = array<i32>} : memref<8x16xf32, #tpu.memory_space<vmem>>, vector<1x16xf32>,
    %swap3A_28 = vector.shape_cast %swap3A_27 : vector<1x16xf32> to vector<16xf32>
    %swap3A_29 = vector.shape_cast %broadcast_in_dim3A_23 : vector<16xf32> to vector<1x16xf32>
    tpu.vector_store %arg9[%swap3A_25, %swap3A_26], %swap3A_29 {strides = array<i32>} : memref<8x16xf32, #tpu.memory_space<vmem>>, vector<1x16xf32>,
    %broadcast_in_dim3A_30 = arith.constant 0.000000e+00 : f32
    %broadcast_in_dim3A_31 = vector.broadcast %broadcast_in_dim3A_30 : f32 to vector<16xf32>
    %swap3A_32 = arith.constant 4 : i32
    %swap3A_33 = arith.index_cast %swap3A_32 : i32 to index
    %swap3A_34 = arith.constant 0 : index
    %swap3A_35 = tpu.vector_load %arg9[%swap3A_33, %swap3A_34] {strides = array<i32>} : memref<8x16xf32, #tpu.memory_space<vmem>>, vector<1x16xf32>,
    %swap3A_36 = vector.shape_cast %swap3A_35 : vector<1x16xf32> to vector<16xf32>
    %swap3A_37 = vector.shape_cast %broadcast_in_dim3A_31 : vector<16xf32> to vector<1x16xf32>
    tpu.vector_store %arg9[%swap3A_33, %swap3A_34], %swap3A_37 {strides = array<i32>} : memref<8x16xf32, #tpu.memory_space<vmem>>, vector<1x16xf32>,
    %broadcast_in_dim3A_38 = arith.constant 0.000000e+00 : f32
    %broadcast_in_dim3A_39 = vector.broadcast %broadcast_in_dim3A_38 : f32 to vector<16xf32>
    %swap3A_40 = arith.constant 5 : i32
    %swap3A_41 = arith.index_cast %swap3A_40 : i32 to index
    %swap3A_42 = arith.constant 0 : index
    %swap3A_43 = tpu.vector_load %arg9[%swap3A_41, %swap3A_42] {strides = array<i32>} : memref<8x16xf32, #tpu.memory_space<vmem>>, vector<1x16xf32>,
    %swap3A_44 = vector.shape_cast %swap3A_43 : vector<1x16xf32> to vector<16xf32>
    %swap3A_45 = vector.shape_cast %broadcast_in_dim3A_39 : vector<16xf32> to vector<1x16xf32>
    tpu.vector_store %arg9[%swap3A_41, %swap3A_42], %swap3A_45 {strides = array<i32>} : memref<8x16xf32, #tpu.memory_space<vmem>>, vector<1x16xf32>,
    %broadcast_in_dim3A_46 = arith.constant 0.000000e+00 : f32
    %broadcast_in_dim3A_47 = vector.broadcast %broadcast_in_dim3A_46 : f32 to vector<16xf32>
    %swap3A_48 = arith.constant 6 : i32
    %swap3A_49 = arith.index_cast %swap3A_48 : i32 to index
    %swap3A_50 = arith.constant 0 : index
    %swap3A_51 = tpu.vector_load %arg9[%swap3A_49, %swap3A_50] {strides = array<i32>} : memref<8x16xf32, #tpu.memory_space<vmem>>, vector<1x16xf32>,
    %swap3A_52 = vector.shape_cast %swap3A_51 : vector<1x16xf32> to vector<16xf32>
    %swap3A_53 = vector.shape_cast %broadcast_in_dim3A_47 : vector<16xf32> to vector<1x16xf32>
    tpu.vector_store %arg9[%swap3A_49, %swap3A_50], %swap3A_53 {strides = array<i32>} : memref<8x16xf32, #tpu.memory_space<vmem>>, vector<1x16xf32>,
    %broadcast_in_dim3A_54 = arith.constant 0.000000e+00 : f32
    %broadcast_in_dim3A_55 = vector.broadcast %broadcast_in_dim3A_54 : f32 to vector<16xf32>
    %swap3A_56 = arith.constant 7 : i32
    %swap3A_57 = arith.index_cast %swap3A_56 : i32 to index
    %swap3A_58 = arith.constant 0 : index
    %swap3A_59 = tpu.vector_load %arg9[%swap3A_57, %swap3A_58] {strides = array<i32>} : memref<8x16xf32, #tpu.memory_space<vmem>>, vector<1x16xf32>,
    %swap3A_60 = vector.shape_cast %swap3A_59 : vector<1x16xf32> to vector<16xf32>
    %swap3A_61 = vector.shape_cast %broadcast_in_dim3A_55 : vector<16xf32> to vector<1x16xf32>
    tpu.vector_store %arg9[%swap3A_57, %swap3A_58], %swap3A_61 {strides = array<i32>} : memref<8x16xf32, #tpu.memory_space<vmem>>, vector<1x16xf32>,
    %lt3A = arith.constant 15 : i32
    %lt3A_62 = arith.cmpi slt, %arg1, %lt3A : i32
    %convert_element_type3A = arith.extui %lt3A_62 : i1 to i32
    %cond3A = arith.constant 0 : i32
    %cond3A_63 = arith.cmpi ne, %convert_element_type3A, %cond3A : i32
    scf.if %cond3A_63 {
      %scan3A = arith.constant 0 : i32
      %scan3A_65 = arith.constant 0 : i32
      %scan3A_66 = arith.constant 8 : i32
      %scan3A_67 = arith.addi %scan3A_65, %scan3A_66 : i32
      %scan3A_68 = arith.constant 1 : i32
      scf.for %scan3A_70 = %scan3A_65 to %scan3A_67 step %scan3A_68  : i32 {
        %mul3A_71 = arith.constant 8 : i32
        %mul3A_72 = arith.muli %arg1, %mul3A_71 : i32
        %add3A = arith.addi %mul3A_72, %scan3A_70 : i32
        %rem3A = arith.constant 4 : i32
        %rem3A_73 = arith.remsi %scan3A_70, %rem3A : i32
        %eq3A = arith.constant 0 : i32
        %eq3A_74 = arith.cmpi eq, %rem3A_73, %eq3A : i32
        %convert_element_type3A_75 = arith.extui %eq3A_74 : i1 to i32
        %cond3A_76 = arith.constant 0 : i32
        %cond3A_77 = arith.cmpi ne, %convert_element_type3A_75, %cond3A_76 : i32
        scf.if %cond3A_77 {
          %mul3A_155 = arith.constant 2 : i32
          %mul3A_156 = arith.muli %add3A, %mul3A_155 : i32
          "tpu.region"() ({
            %run_scoped3A = tpu.sem_alloc : memref<!tpu.dma_semaphore, #tpu.memory_space<semaphore_mem>>
            %dma_start3A = arith.constant 0 : i32
            %dma_start3A_157 = arith.constant 0 : i32
            %dma_start3A_158 = tpu.memref_slice %arg2[%mul3A_156, %dma_start3A, %dma_start3A_157] : memref<240x64x64xf32, #tpu.memory_space<hbm>> -> memref<8x64x64xf32, #tpu.memory_space<hbm>>
            %dma_start3A_159 = arith.constant 0 : i32
            %dma_start3A_160 = arith.constant 0 : i32
            %dma_start3A_161 = tpu.memref_slice %arg2[%mul3A_156, %dma_start3A_159, %dma_start3A_160] : memref<240x64x64xf32, #tpu.memory_space<hbm>> -> memref<8x64x64xf32, #tpu.memory_space<hbm>>
            tpu.enqueue_dma source(%dma_start3A_161 : memref<8x64x64xf32, #tpu.memory_space<hbm>>) target(%arg6 : memref<8x64x64xf32, #tpu.memory_space<vmem>>) target_semaphore(%run_scoped3A : memref<!tpu.dma_semaphore, #tpu.memory_space<semaphore_mem>>)
            %dma_wait3A = arith.constant 0 : i32
            %dma_wait3A_162 = arith.constant 0 : i32
            %dma_wait3A_163 = tpu.memref_slice %arg2[%mul3A_156, %dma_wait3A, %dma_wait3A_162] : memref<240x64x64xf32, #tpu.memory_space<hbm>> -> memref<8x64x64xf32, #tpu.memory_space<hbm>>
            %dma_wait3A_164 = arith.constant 0 : i32
            %dma_wait3A_165 = arith.constant 0 : i32
            %dma_wait3A_166 = tpu.memref_slice %arg2[%mul3A_156, %dma_wait3A_164, %dma_wait3A_165] : memref<240x64x64xf32, #tpu.memory_space<hbm>> -> memref<8x64x64xf32, #tpu.memory_space<hbm>>
            tpu.wait_dma2 semaphore(%run_scoped3A : memref<!tpu.dma_semaphore, #tpu.memory_space<semaphore_mem>>) src(%dma_wait3A_166 : memref<8x64x64xf32, #tpu.memory_space<hbm>>) dst(%arg6 : memref<8x64x64xf32, #tpu.memory_space<vmem>>)
            tpu.yield
          }) : () -> ()
        } else {
        }
        %get3A = arith.index_cast %add3A : i32 to index
        %get3A_78 = arith.constant 0 : index
        %get3A_79 = tpu.vector_load %arg8[%get3A, %get3A_78] {strides = array<i32>} : memref<128x16xi32, #tpu.memory_space<vmem>>, vector<1x16xi32>,
        %get3A_80 = vector.shape_cast %get3A_79 : vector<1x16xi32> to vector<16xi32>
        %slice3A = vector.extract_strided_slice %get3A_80 {offsets = [0], sizes = [1], strides = [1]} : vector<16xi32> to vector<1xi32>
        %squeeze3A = vector.extract %slice3A[0] : i32 from vector<1xi32>
        %slice3A_81 = vector.extract_strided_slice %get3A_80 {offsets = [1], sizes = [1], strides = [1]} : vector<16xi32> to vector<1xi32>
        %squeeze3A_82 = vector.extract %slice3A_81[0] : i32 from vector<1xi32>
        %get3A_83 = arith.index_cast %squeeze3A : i32 to index
        %get3A_84 = arith.constant 0 : index
        %get3A_85 = tpu.vector_load %arg7[%get3A_83, %get3A_84] {strides = array<i32>} : memref<16x64xf32, #tpu.memory_space<vmem>>, vector<1x16xf32>,
        %get3A_86 = vector.shape_cast %get3A_85 : vector<1x16xf32> to vector<16xf32>
        %get3A_87 = arith.index_cast %squeeze3A : i32 to index
        %get3A_88 = arith.constant 16 : index
        %get3A_89 = tpu.vector_load %arg7[%get3A_87, %get3A_88] {strides = array<i32>} : memref<16x64xf32, #tpu.memory_space<vmem>>, vector<1x16xf32>,
        %get3A_90 = vector.shape_cast %get3A_89 : vector<1x16xf32> to vector<16xf32>
        %get3A_91 = arith.index_cast %squeeze3A : i32 to index
        %get3A_92 = arith.constant 32 : index
        %get3A_93 = tpu.vector_load %arg7[%get3A_91, %get3A_92] {strides = array<i32>} : memref<16x64xf32, #tpu.memory_space<vmem>>, vector<1x16xf32>,
        %get3A_94 = vector.shape_cast %get3A_93 : vector<1x16xf32> to vector<16xf32>
        %get3A_95 = arith.index_cast %squeeze3A : i32 to index
        %get3A_96 = arith.constant 48 : index
        %get3A_97 = tpu.vector_load %arg7[%get3A_95, %get3A_96] {strides = array<i32>} : memref<16x64xf32, #tpu.memory_space<vmem>>, vector<1x16xf32>,
        %get3A_98 = vector.shape_cast %get3A_97 : vector<1x16xf32> to vector<16xf32>
        %get3A_99 = arith.index_cast %squeeze3A_82 : i32 to index
        %get3A_100 = arith.constant 0 : index
        %get3A_101 = tpu.vector_load %arg7[%get3A_99, %get3A_100] {strides = array<i32>} : memref<16x64xf32, #tpu.memory_space<vmem>>, vector<1x16xf32>,
        %get3A_102 = vector.shape_cast %get3A_101 : vector<1x16xf32> to vector<16xf32>
        %get3A_103 = arith.index_cast %squeeze3A_82 : i32 to index
        %get3A_104 = arith.constant 16 : index
        %get3A_105 = tpu.vector_load %arg7[%get3A_103, %get3A_104] {strides = array<i32>} : memref<16x64xf32, #tpu.memory_space<vmem>>, vector<1x16xf32>,
        %get3A_106 = vector.shape_cast %get3A_105 : vector<1x16xf32> to vector<16xf32>
        %get3A_107 = arith.index_cast %squeeze3A_82 : i32 to index
        %get3A_108 = arith.constant 32 : index
        %get3A_109 = tpu.vector_load %arg7[%get3A_107, %get3A_108] {strides = array<i32>} : memref<16x64xf32, #tpu.memory_space<vmem>>, vector<1x16xf32>,
        %get3A_110 = vector.shape_cast %get3A_109 : vector<1x16xf32> to vector<16xf32>
        %get3A_111 = arith.index_cast %squeeze3A_82 : i32 to index
        %get3A_112 = arith.constant 48 : index
        %get3A_113 = tpu.vector_load %arg7[%get3A_111, %get3A_112] {strides = array<i32>} : memref<16x64xf32, #tpu.memory_space<vmem>>, vector<1x16xf32>,
        %get3A_114 = vector.shape_cast %get3A_113 : vector<1x16xf32> to vector<16xf32>
        %broadcast_in_dim3A_115 = arith.constant 0.000000e+00 : f32
        %broadcast_in_dim3A_116 = vector.broadcast %broadcast_in_dim3A_115 : f32 to vector<16xf32>
        %broadcast_in_dim3A_117 = arith.constant 0.000000e+00 : f32
        %broadcast_in_dim3A_118 = vector.broadcast %broadcast_in_dim3A_117 : f32 to vector<16xf32>
        %broadcast_in_dim3A_119 = arith.constant 0.000000e+00 : f32
        %broadcast_in_dim3A_120 = vector.broadcast %broadcast_in_dim3A_119 : f32 to vector<16xf32>
        %broadcast_in_dim3A_121 = arith.constant 0.000000e+00 : f32
        %broadcast_in_dim3A_122 = vector.broadcast %broadcast_in_dim3A_121 : f32 to vector<16xf32>
        %broadcast_in_dim3A_123 = arith.constant 0.000000e+00 : f32
        %broadcast_in_dim3A_124 = vector.broadcast %broadcast_in_dim3A_123 : f32 to vector<16xf32>
        %broadcast_in_dim3A_125 = arith.constant 0.000000e+00 : f32
        %broadcast_in_dim3A_126 = vector.broadcast %broadcast_in_dim3A_125 : f32 to vector<16xf32>
        %broadcast_in_dim3A_127 = arith.constant 0.000000e+00 : f32
        %broadcast_in_dim3A_128 = vector.broadcast %broadcast_in_dim3A_127 : f32 to vector<16xf32>
        %broadcast_in_dim3A_129 = arith.constant 0.000000e+00 : f32
        %broadcast_in_dim3A_130 = vector.broadcast %broadcast_in_dim3A_129 : f32 to vector<16xf32>
        %scan3A_131 = arith.constant 0 : i32
        %scan3A_132 = arith.constant 16 : i32
        %scan3A_133 = arith.addi %scan3A_131, %scan3A_132 : i32
        %scan3A_134 = arith.constant 1 : i32
        %scan3A_135:8 = scf.for %scan3A_155 = %scan3A_131 to %scan3A_133 step %scan3A_134 iter_args(%scan3A_156 = %broadcast_in_dim3A_116, %scan3A_157 = %broadcast_in_dim3A_118, %scan3A_158 = %broadcast_in_dim3A_120, %scan3A_159 = %broadcast_in_dim3A_122, %scan3A_160 = %broadcast_in_dim3A_124, %scan3A_161 = %broadcast_in_dim3A_126, %scan3A_162 = %broadcast_in_dim3A_128, %scan3A_163 = %broadcast_in_dim3A_130) -> (vector<16xf32>, vector<16xf32>, vector<16xf32>, vector<16xf32>, vector<16xf32>, vector<16xf32>, vector<16xf32>, vector<16xf32>)  : i32 {
          %broadcast_in_dim3A_164 = vector.broadcast %scan3A_155 : i32 to vector<16xi32>
          %lt3A_165 = arith.constant 0 : i32
          %lt3A_166 = vector.broadcast %lt3A_165 : i32 to vector<16xi32>
          %lt3A_167 = arith.cmpi slt, %broadcast_in_dim3A_164, %lt3A_166 : vector<16xi32>
          %add3A_168 = arith.constant 16 : i32
          %add3A_169 = vector.broadcast %add3A_168 : i32 to vector<16xi32>
          %add3A_170 = arith.addi %broadcast_in_dim3A_164, %add3A_169 : vector<16xi32>
          %select_n3A = arith.select %lt3A_167, %add3A_170, %broadcast_in_dim3A_164 : vector<16xi1>, vector<16xi32>
          %broadcast_in_dim3A_171 = vector.shape_cast %select_n3A : vector<16xi32> to vector<16x1xi32>
          %gather3A = vector.shape_cast %broadcast_in_dim3A_171 : vector<16x1xi32> to vector<16xi32>
          %gather3A_172 = tpu.dynamic_gather %get3A_86[%gather3A] in [0] : vector<16xf32>, vector<16xi32> -> vector<16xf32>
          %lt3A_173 = arith.constant 0 : i32
          %lt3A_174 = vector.broadcast %lt3A_173 : i32 to vector<16xi32>
          %lt3A_175 = arith.cmpi slt, %broadcast_in_dim3A_164, %lt3A_174 : vector<16xi32>
          %add3A_176 = arith.constant 16 : i32
          %add3A_177 = vector.broadcast %add3A_176 : i32 to vector<16xi32>
          %add3A_178 = arith.addi %broadcast_in_dim3A_164, %add3A_177 : vector<16xi32>
          %select_n3A_179 = arith.select %lt3A_175, %add3A_178, %broadcast_in_dim3A_164 : vector<16xi1>, vector<16xi32>
          %broadcast_in_dim3A_180 = vector.shape_cast %select_n3A_179 : vector<16xi32> to vector<16x1xi32>
          %gather3A_181 = vector.shape_cast %broadcast_in_dim3A_180 : vector<16x1xi32> to vector<16xi32>
          %gather3A_182 = tpu.dynamic_gather %get3A_102[%gather3A_181] in [0] : vector<16xf32>, vector<16xi32> -> vector<16xf32>
          %add3A_183 = arith.constant 0 : i32
          %add3A_184 = arith.addi %add3A_183, %scan3A_155 : i32
          %mul3A_185 = arith.constant 2 : i32
          %mul3A_186 = arith.muli %mul3A_185, %rem3A_73 : i32
          %get3A_187 = arith.index_cast %mul3A_186 : i32 to index
          %get3A_188 = arith.index_cast %add3A_184 : i32 to index
          %get3A_189 = arith.constant 0 : index
          %get3A_190 = tpu.vector_load %arg6[%get3A_187, %get3A_188, %get3A_189] {strides = array<i32>} : memref<8x64x64xf32, #tpu.memory_space<vmem>>, vector<1x1x16xf32>,
          %get3A_191 = vector.shape_cast %get3A_190 : vector<1x1x16xf32> to vector<16xf32>
          %mul3A_192 = arith.mulf %get3A_191, %gather3A_172 : vector<16xf32>
          %add3A_193 = arith.addf %scan3A_156, %mul3A_192 : vector<16xf32>
          %mul3A_194 = arith.constant 2 : i32
          %mul3A_195 = arith.muli %mul3A_194, %rem3A_73 : i32
          %add3A_196 = arith.constant 1 : i32
          %add3A_197 = arith.addi %mul3A_195, %add3A_196 : i32
          %get3A_198 = arith.index_cast %add3A_197 : i32 to index
          %get3A_199 = arith.index_cast %add3A_184 : i32 to index
          %get3A_200 = arith.constant 0 : index
          %get3A_201 = tpu.vector_load %arg6[%get3A_198, %get3A_199, %get3A_200] {strides = array<i32>} : memref<8x64x64xf32, #tpu.memory_space<vmem>>, vector<1x1x16xf32>,
          %get3A_202 = vector.shape_cast %get3A_201 : vector<1x1x16xf32> to vector<16xf32>
          %mul3A_203 = arith.mulf %get3A_202, %gather3A_182 : vector<16xf32>
          %add3A_204 = arith.addf %scan3A_160, %mul3A_203 : vector<16xf32>
          %mul3A_205 = arith.constant 2 : i32
          %mul3A_206 = arith.muli %mul3A_205, %rem3A_73 : i32
          %get3A_207 = arith.index_cast %mul3A_206 : i32 to index
          %get3A_208 = arith.index_cast %add3A_184 : i32 to index
          %get3A_209 = arith.constant 16 : index
          %get3A_210 = tpu.vector_load %arg6[%get3A_207, %get3A_208, %get3A_209] {strides = array<i32>} : memref<8x64x64xf32, #tpu.memory_space<vmem>>, vector<1x1x16xf32>,
          %get3A_211 = vector.shape_cast %get3A_210 : vector<1x1x16xf32> to vector<16xf32>
          %mul3A_212 = arith.mulf %get3A_211, %gather3A_172 : vector<16xf32>
          %add3A_213 = arith.addf %scan3A_157, %mul3A_212 : vector<16xf32>
          %mul3A_214 = arith.constant 2 : i32
          %mul3A_215 = arith.muli %mul3A_214, %rem3A_73 : i32
          %add3A_216 = arith.constant 1 : i32
          %add3A_217 = arith.addi %mul3A_215, %add3A_216 : i32
          %get3A_218 = arith.index_cast %add3A_217 : i32 to index
          %get3A_219 = arith.index_cast %add3A_184 : i32 to index
          %get3A_220 = arith.constant 16 : index
          %get3A_221 = tpu.vector_load %arg6[%get3A_218, %get3A_219, %get3A_220] {strides = array<i32>} : memref<8x64x64xf32, #tpu.memory_space<vmem>>, vector<1x1x16xf32>,
          %get3A_222 = vector.shape_cast %get3A_221 : vector<1x1x16xf32> to vector<16xf32>
          %mul3A_223 = arith.mulf %get3A_222, %gather3A_182 : vector<16xf32>
          %add3A_224 = arith.addf %scan3A_161, %mul3A_223 : vector<16xf32>
          %mul3A_225 = arith.constant 2 : i32
          %mul3A_226 = arith.muli %mul3A_225, %rem3A_73 : i32
          %get3A_227 = arith.index_cast %mul3A_226 : i32 to index
          %get3A_228 = arith.index_cast %add3A_184 : i32 to index
          %get3A_229 = arith.constant 32 : index
          %get3A_230 = tpu.vector_load %arg6[%get3A_227, %get3A_228, %get3A_229] {strides = array<i32>} : memref<8x64x64xf32, #tpu.memory_space<vmem>>, vector<1x1x16xf32>,
          %get3A_231 = vector.shape_cast %get3A_230 : vector<1x1x16xf32> to vector<16xf32>
          %mul3A_232 = arith.mulf %get3A_231, %gather3A_172 : vector<16xf32>
          %add3A_233 = arith.addf %scan3A_158, %mul3A_232 : vector<16xf32>
          %mul3A_234 = arith.constant 2 : i32
          %mul3A_235 = arith.muli %mul3A_234, %rem3A_73 : i32
          %add3A_236 = arith.constant 1 : i32
          %add3A_237 = arith.addi %mul3A_235, %add3A_236 : i32
          %get3A_238 = arith.index_cast %add3A_237 : i32 to index
          %get3A_239 = arith.index_cast %add3A_184 : i32 to index
          %get3A_240 = arith.constant 32 : index
          %get3A_241 = tpu.vector_load %arg6[%get3A_238, %get3A_239, %get3A_240] {strides = array<i32>} : memref<8x64x64xf32, #tpu.memory_space<vmem>>, vector<1x1x16xf32>,
          %get3A_242 = vector.shape_cast %get3A_241 : vector<1x1x16xf32> to vector<16xf32>
          %mul3A_243 = arith.mulf %get3A_242, %gather3A_182 : vector<16xf32>
          %add3A_244 = arith.addf %scan3A_162, %mul3A_243 : vector<16xf32>
          %mul3A_245 = arith.constant 2 : i32
          %mul3A_246 = arith.muli %mul3A_245, %rem3A_73 : i32
          %get3A_247 = arith.index_cast %mul3A_246 : i32 to index
          %get3A_248 = arith.index_cast %add3A_184 : i32 to index
          %get3A_249 = arith.constant 48 : index
          %get3A_250 = tpu.vector_load %arg6[%get3A_247, %get3A_248, %get3A_249] {strides = array<i32>} : memref<8x64x64xf32, #tpu.memory_space<vmem>>, vector<1x1x16xf32>,
          %get3A_251 = vector.shape_cast %get3A_250 : vector<1x1x16xf32> to vector<16xf32>
          %mul3A_252 = arith.mulf %get3A_251, %gather3A_172 : vector<16xf32>
          %add3A_253 = arith.addf %scan3A_159, %mul3A_252 : vector<16xf32>
          %mul3A_254 = arith.constant 2 : i32
          %mul3A_255 = arith.muli %mul3A_254, %rem3A_73 : i32
          %add3A_256 = arith.constant 1 : i32
          %add3A_257 = arith.addi %mul3A_255, %add3A_256 : i32
          %get3A_258 = arith.index_cast %add3A_257 : i32 to index
          %get3A_259 = arith.index_cast %add3A_184 : i32 to index
          %get3A_260 = arith.constant 48 : index
          %get3A_261 = tpu.vector_load %arg6[%get3A_258, %get3A_259, %get3A_260] {strides = array<i32>} : memref<8x64x64xf32, #tpu.memory_space<vmem>>, vector<1x1x16xf32>,
          %get3A_262 = vector.shape_cast %get3A_261 : vector<1x1x16xf32> to vector<16xf32>
          %mul3A_263 = arith.mulf %get3A_262, %gather3A_182 : vector<16xf32>
          %add3A_264 = arith.addf %scan3A_163, %mul3A_263 : vector<16xf32>
          %lt3A_265 = arith.constant 0 : i32
          %lt3A_266 = vector.broadcast %lt3A_265 : i32 to vector<16xi32>
          %lt3A_267 = arith.cmpi slt, %broadcast_in_dim3A_164, %lt3A_266 : vector<16xi32>
          %add3A_268 = arith.constant 16 : i32
          %add3A_269 = vector.broadcast %add3A_268 : i32 to vector<16xi32>
          %add3A_270 = arith.addi %broadcast_in_dim3A_164, %add3A_269 : vector<16xi32>
          %select_n3A_271 = arith.select %lt3A_267, %add3A_270, %broadcast_in_dim3A_164 : vector<16xi1>, vector<16xi32>
          %broadcast_in_dim3A_272 = vector.shape_cast %select_n3A_271 : vector<16xi32> to vector<16x1xi32>
          %gather3A_273 = vector.shape_cast %broadcast_in_dim3A_272 : vector<16x1xi32> to vector<16xi32>
          %gather3A_274 = tpu.dynamic_gather %get3A_90[%gather3A_273] in [0] : vector<16xf32>, vector<16xi32> -> vector<16xf32>
          %lt3A_275 = arith.constant 0 : i32
          %lt3A_276 = vector.broadcast %lt3A_275 : i32 to vector<16xi32>
          %lt3A_277 = arith.cmpi slt, %broadcast_in_dim3A_164, %lt3A_276 : vector<16xi32>
          %add3A_278 = arith.constant 16 : i32
          %add3A_279 = vector.broadcast %add3A_278 : i32 to vector<16xi32>
          %add3A_280 = arith.addi %broadcast_in_dim3A_164, %add3A_279 : vector<16xi32>
          %select_n3A_281 = arith.select %lt3A_277, %add3A_280, %broadcast_in_dim3A_164 : vector<16xi1>, vector<16xi32>
          %broadcast_in_dim3A_282 = vector.shape_cast %select_n3A_281 : vector<16xi32> to vector<16x1xi32>
          %gather3A_283 = vector.shape_cast %broadcast_in_dim3A_282 : vector<16x1xi32> to vector<16xi32>
          %gather3A_284 = tpu.dynamic_gather %get3A_106[%gather3A_283] in [0] : vector<16xf32>, vector<16xi32> -> vector<16xf32>
          %add3A_285 = arith.constant 16 : i32
          %add3A_286 = arith.addi %add3A_285, %scan3A_155 : i32
          %mul3A_287 = arith.constant 2 : i32
          %mul3A_288 = arith.muli %mul3A_287, %rem3A_73 : i32
          %get3A_289 = arith.index_cast %mul3A_288 : i32 to index
          %get3A_290 = arith.index_cast %add3A_286 : i32 to index
          %get3A_291 = arith.constant 0 : index
          %get3A_292 = tpu.vector_load %arg6[%get3A_289, %get3A_290, %get3A_291] {strides = array<i32>} : memref<8x64x64xf32, #tpu.memory_space<vmem>>, vector<1x1x16xf32>,
          %get3A_293 = vector.shape_cast %get3A_292 : vector<1x1x16xf32> to vector<16xf32>
          %mul3A_294 = arith.mulf %get3A_293, %gather3A_274 : vector<16xf32>
          %add3A_295 = arith.addf %add3A_193, %mul3A_294 : vector<16xf32>
          %mul3A_296 = arith.constant 2 : i32
          %mul3A_297 = arith.muli %mul3A_296, %rem3A_73 : i32
          %add3A_298 = arith.constant 1 : i32
          %add3A_299 = arith.addi %mul3A_297, %add3A_298 : i32
          %get3A_300 = arith.index_cast %add3A_299 : i32 to index
          %get3A_301 = arith.index_cast %add3A_286 : i32 to index
          %get3A_302 = arith.constant 0 : index
          %get3A_303 = tpu.vector_load %arg6[%get3A_300, %get3A_301, %get3A_302] {strides = array<i32>} : memref<8x64x64xf32, #tpu.memory_space<vmem>>, vector<1x1x16xf32>,
          %get3A_304 = vector.shape_cast %get3A_303 : vector<1x1x16xf32> to vector<16xf32>
          %mul3A_305 = arith.mulf %get3A_304, %gather3A_284 : vector<16xf32>
          %add3A_306 = arith.addf %add3A_204, %mul3A_305 : vector<16xf32>
          %mul3A_307 = arith.constant 2 : i32
          %mul3A_308 = arith.muli %mul3A_307, %rem3A_73 : i32
          %get3A_309 = arith.index_cast %mul3A_308 : i32 to index
          %get3A_310 = arith.index_cast %add3A_286 : i32 to index
          %get3A_311 = arith.constant 16 : index
          %get3A_312 = tpu.vector_load %arg6[%get3A_309, %get3A_310, %get3A_311] {strides = array<i32>} : memref<8x64x64xf32, #tpu.memory_space<vmem>>, vector<1x1x16xf32>,
          %get3A_313 = vector.shape_cast %get3A_312 : vector<1x1x16xf32> to vector<16xf32>
          %mul3A_314 = arith.mulf %get3A_313, %gather3A_274 : vector<16xf32>
          %add3A_315 = arith.addf %add3A_213, %mul3A_314 : vector<16xf32>
          %mul3A_316 = arith.constant 2 : i32
          %mul3A_317 = arith.muli %mul3A_316, %rem3A_73 : i32
          %add3A_318 = arith.constant 1 : i32
          %add3A_319 = arith.addi %mul3A_317, %add3A_318 : i32
          %get3A_320 = arith.index_cast %add3A_319 : i32 to index
          %get3A_321 = arith.index_cast %add3A_286 : i32 to index
          %get3A_322 = arith.constant 16 : index
          %get3A_323 = tpu.vector_load %arg6[%get3A_320, %get3A_321, %get3A_322] {strides = array<i32>} : memref<8x64x64xf32, #tpu.memory_space<vmem>>, vector<1x1x16xf32>,
          %get3A_324 = vector.shape_cast %get3A_323 : vector<1x1x16xf32> to vector<16xf32>
          %mul3A_325 = arith.mulf %get3A_324, %gather3A_284 : vector<16xf32>
          %add3A_326 = arith.addf %add3A_224, %mul3A_325 : vector<16xf32>
          %mul3A_327 = arith.constant 2 : i32
          %mul3A_328 = arith.muli %mul3A_327, %rem3A_73 : i32
          %get3A_329 = arith.index_cast %mul3A_328 : i32 to index
          %get3A_330 = arith.index_cast %add3A_286 : i32 to index
          %get3A_331 = arith.constant 32 : index
          %get3A_332 = tpu.vector_load %arg6[%get3A_329, %get3A_330, %get3A_331] {strides = array<i32>} : memref<8x64x64xf32, #tpu.memory_space<vmem>>, vector<1x1x16xf32>,
          %get3A_333 = vector.shape_cast %get3A_332 : vector<1x1x16xf32> to vector<16xf32>
          %mul3A_334 = arith.mulf %get3A_333, %gather3A_274 : vector<16xf32>
          %add3A_335 = arith.addf %add3A_233, %mul3A_334 : vector<16xf32>
          %mul3A_336 = arith.constant 2 : i32
          %mul3A_337 = arith.muli %mul3A_336, %rem3A_73 : i32
          %add3A_338 = arith.constant 1 : i32
          %add3A_339 = arith.addi %mul3A_337, %add3A_338 : i32
          %get3A_340 = arith.index_cast %add3A_339 : i32 to index
          %get3A_341 = arith.index_cast %add3A_286 : i32 to index
          %get3A_342 = arith.constant 32 : index
          %get3A_343 = tpu.vector_load %arg6[%get3A_340, %get3A_341, %get3A_342] {strides = array<i32>} : memref<8x64x64xf32, #tpu.memory_space<vmem>>, vector<1x1x16xf32>,
          %get3A_344 = vector.shape_cast %get3A_343 : vector<1x1x16xf32> to vector<16xf32>
          %mul3A_345 = arith.mulf %get3A_344, %gather3A_284 : vector<16xf32>
          %add3A_346 = arith.addf %add3A_244, %mul3A_345 : vector<16xf32>
          %mul3A_347 = arith.constant 2 : i32
          %mul3A_348 = arith.muli %mul3A_347, %rem3A_73 : i32
          %get3A_349 = arith.index_cast %mul3A_348 : i32 to index
          %get3A_350 = arith.index_cast %add3A_286 : i32 to index
          %get3A_351 = arith.constant 48 : index
          %get3A_352 = tpu.vector_load %arg6[%get3A_349, %get3A_350, %get3A_351] {strides = array<i32>} : memref<8x64x64xf32, #tpu.memory_space<vmem>>, vector<1x1x16xf32>,
          %get3A_353 = vector.shape_cast %get3A_352 : vector<1x1x16xf32> to vector<16xf32>
          %mul3A_354 = arith.mulf %get3A_353, %gather3A_274 : vector<16xf32>
          %add3A_355 = arith.addf %add3A_253, %mul3A_354 : vector<16xf32>
          %mul3A_356 = arith.constant 2 : i32
          %mul3A_357 = arith.muli %mul3A_356, %rem3A_73 : i32
          %add3A_358 = arith.constant 1 : i32
          %add3A_359 = arith.addi %mul3A_357, %add3A_358 : i32
          %get3A_360 = arith.index_cast %add3A_359 : i32 to index
          %get3A_361 = arith.index_cast %add3A_286 : i32 to index
          %get3A_362 = arith.constant 48 : index
          %get3A_363 = tpu.vector_load %arg6[%get3A_360, %get3A_361, %get3A_362] {strides = array<i32>} : memref<8x64x64xf32, #tpu.memory_space<vmem>>, vector<1x1x16xf32>,
          %get3A_364 = vector.shape_cast %get3A_363 : vector<1x1x16xf32> to vector<16xf32>
          %mul3A_365 = arith.mulf %get3A_364, %gather3A_284 : vector<16xf32>
          %add3A_366 = arith.addf %add3A_264, %mul3A_365 : vector<16xf32>
          %lt3A_367 = arith.constant 0 : i32
          %lt3A_368 = vector.broadcast %lt3A_367 : i32 to vector<16xi32>
          %lt3A_369 = arith.cmpi slt, %broadcast_in_dim3A_164, %lt3A_368 : vector<16xi32>
          %add3A_370 = arith.constant 16 : i32
          %add3A_371 = vector.broadcast %add3A_370 : i32 to vector<16xi32>
          %add3A_372 = arith.addi %broadcast_in_dim3A_164, %add3A_371 : vector<16xi32>
          %select_n3A_373 = arith.select %lt3A_369, %add3A_372, %broadcast_in_dim3A_164 : vector<16xi1>, vector<16xi32>
          %broadcast_in_dim3A_374 = vector.shape_cast %select_n3A_373 : vector<16xi32> to vector<16x1xi32>
          %gather3A_375 = vector.shape_cast %broadcast_in_dim3A_374 : vector<16x1xi32> to vector<16xi32>
          %gather3A_376 = tpu.dynamic_gather %get3A_94[%gather3A_375] in [0] : vector<16xf32>, vector<16xi32> -> vector<16xf32>
          %lt3A_377 = arith.constant 0 : i32
          %lt3A_378 = vector.broadcast %lt3A_377 : i32 to vector<16xi32>
          %lt3A_379 = arith.cmpi slt, %broadcast_in_dim3A_164, %lt3A_378 : vector<16xi32>
          %add3A_380 = arith.constant 16 : i32
          %add3A_381 = vector.broadcast %add3A_380 : i32 to vector<16xi32>
          %add3A_382 = arith.addi %broadcast_in_dim3A_164, %add3A_381 : vector<16xi32>
          %select_n3A_383 = arith.select %lt3A_379, %add3A_382, %broadcast_in_dim3A_164 : vector<16xi1>, vector<16xi32>
          %broadcast_in_dim3A_384 = vector.shape_cast %select_n3A_383 : vector<16xi32> to vector<16x1xi32>
          %gather3A_385 = vector.shape_cast %broadcast_in_dim3A_384 : vector<16x1xi32> to vector<16xi32>
          %gather3A_386 = tpu.dynamic_gather %get3A_110[%gather3A_385] in [0] : vector<16xf32>, vector<16xi32> -> vector<16xf32>
          %add3A_387 = arith.constant 32 : i32
          %add3A_388 = arith.addi %add3A_387, %scan3A_155 : i32
          %mul3A_389 = arith.constant 2 : i32
          %mul3A_390 = arith.muli %mul3A_389, %rem3A_73 : i32
          %get3A_391 = arith.index_cast %mul3A_390 : i32 to index
          %get3A_392 = arith.index_cast %add3A_388 : i32 to index
          %get3A_393 = arith.constant 0 : index
          %get3A_394 = tpu.vector_load %arg6[%get3A_391, %get3A_392, %get3A_393] {strides = array<i32>} : memref<8x64x64xf32, #tpu.memory_space<vmem>>, vector<1x1x16xf32>,
          %get3A_395 = vector.shape_cast %get3A_394 : vector<1x1x16xf32> to vector<16xf32>
          %mul3A_396 = arith.mulf %get3A_395, %gather3A_376 : vector<16xf32>
          %add3A_397 = arith.addf %add3A_295, %mul3A_396 : vector<16xf32>
          %mul3A_398 = arith.constant 2 : i32
          %mul3A_399 = arith.muli %mul3A_398, %rem3A_73 : i32
          %add3A_400 = arith.constant 1 : i32
          %add3A_401 = arith.addi %mul3A_399, %add3A_400 : i32
          %get3A_402 = arith.index_cast %add3A_401 : i32 to index
          %get3A_403 = arith.index_cast %add3A_388 : i32 to index
          %get3A_404 = arith.constant 0 : index
          %get3A_405 = tpu.vector_load %arg6[%get3A_402, %get3A_403, %get3A_404] {strides = array<i32>} : memref<8x64x64xf32, #tpu.memory_space<vmem>>, vector<1x1x16xf32>,
          %get3A_406 = vector.shape_cast %get3A_405 : vector<1x1x16xf32> to vector<16xf32>
          %mul3A_407 = arith.mulf %get3A_406, %gather3A_386 : vector<16xf32>
          %add3A_408 = arith.addf %add3A_306, %mul3A_407 : vector<16xf32>
          %mul3A_409 = arith.constant 2 : i32
          %mul3A_410 = arith.muli %mul3A_409, %rem3A_73 : i32
          %get3A_411 = arith.index_cast %mul3A_410 : i32 to index
          %get3A_412 = arith.index_cast %add3A_388 : i32 to index
          %get3A_413 = arith.constant 16 : index
          %get3A_414 = tpu.vector_load %arg6[%get3A_411, %get3A_412, %get3A_413] {strides = array<i32>} : memref<8x64x64xf32, #tpu.memory_space<vmem>>, vector<1x1x16xf32>,
          %get3A_415 = vector.shape_cast %get3A_414 : vector<1x1x16xf32> to vector<16xf32>
          %mul3A_416 = arith.mulf %get3A_415, %gather3A_376 : vector<16xf32>
          %add3A_417 = arith.addf %add3A_315, %mul3A_416 : vector<16xf32>
          %mul3A_418 = arith.constant 2 : i32
          %mul3A_419 = arith.muli %mul3A_418, %rem3A_73 : i32
          %add3A_420 = arith.constant 1 : i32
          %add3A_421 = arith.addi %mul3A_419, %add3A_420 : i32
          %get3A_422 = arith.index_cast %add3A_421 : i32 to index
          %get3A_423 = arith.index_cast %add3A_388 : i32 to index
          %get3A_424 = arith.constant 16 : index
          %get3A_425 = tpu.vector_load %arg6[%get3A_422, %get3A_423, %get3A_424] {strides = array<i32>} : memref<8x64x64xf32, #tpu.memory_space<vmem>>, vector<1x1x16xf32>,
          %get3A_426 = vector.shape_cast %get3A_425 : vector<1x1x16xf32> to vector<16xf32>
          %mul3A_427 = arith.mulf %get3A_426, %gather3A_386 : vector<16xf32>
          %add3A_428 = arith.addf %add3A_326, %mul3A_427 : vector<16xf32>
          %mul3A_429 = arith.constant 2 : i32
          %mul3A_430 = arith.muli %mul3A_429, %rem3A_73 : i32
          %get3A_431 = arith.index_cast %mul3A_430 : i32 to index
          %get3A_432 = arith.index_cast %add3A_388 : i32 to index
          %get3A_433 = arith.constant 32 : index
          %get3A_434 = tpu.vector_load %arg6[%get3A_431, %get3A_432, %get3A_433] {strides = array<i32>} : memref<8x64x64xf32, #tpu.memory_space<vmem>>, vector<1x1x16xf32>,
          %get3A_435 = vector.shape_cast %get3A_434 : vector<1x1x16xf32> to vector<16xf32>
          %mul3A_436 = arith.mulf %get3A_435, %gather3A_376 : vector<16xf32>
          %add3A_437 = arith.addf %add3A_335, %mul3A_436 : vector<16xf32>
          %mul3A_438 = arith.constant 2 : i32
          %mul3A_439 = arith.muli %mul3A_438, %rem3A_73 : i32
          %add3A_440 = arith.constant 1 : i32
          %add3A_441 = arith.addi %mul3A_439, %add3A_440 : i32
          %get3A_442 = arith.index_cast %add3A_441 : i32 to index
          %get3A_443 = arith.index_cast %add3A_388 : i32 to index
          %get3A_444 = arith.constant 32 : index
          %get3A_445 = tpu.vector_load %arg6[%get3A_442, %get3A_443, %get3A_444] {strides = array<i32>} : memref<8x64x64xf32, #tpu.memory_space<vmem>>, vector<1x1x16xf32>,
          %get3A_446 = vector.shape_cast %get3A_445 : vector<1x1x16xf32> to vector<16xf32>
          %mul3A_447 = arith.mulf %get3A_446, %gather3A_386 : vector<16xf32>
          %add3A_448 = arith.addf %add3A_346, %mul3A_447 : vector<16xf32>
          %mul3A_449 = arith.constant 2 : i32
          %mul3A_450 = arith.muli %mul3A_449, %rem3A_73 : i32
          %get3A_451 = arith.index_cast %mul3A_450 : i32 to index
          %get3A_452 = arith.index_cast %add3A_388 : i32 to index
          %get3A_453 = arith.constant 48 : index
          %get3A_454 = tpu.vector_load %arg6[%get3A_451, %get3A_452, %get3A_453] {strides = array<i32>} : memref<8x64x64xf32, #tpu.memory_space<vmem>>, vector<1x1x16xf32>,
          %get3A_455 = vector.shape_cast %get3A_454 : vector<1x1x16xf32> to vector<16xf32>
          %mul3A_456 = arith.mulf %get3A_455, %gather3A_376 : vector<16xf32>
          %add3A_457 = arith.addf %add3A_355, %mul3A_456 : vector<16xf32>
          %mul3A_458 = arith.constant 2 : i32
          %mul3A_459 = arith.muli %mul3A_458, %rem3A_73 : i32
          %add3A_460 = arith.constant 1 : i32
          %add3A_461 = arith.addi %mul3A_459, %add3A_460 : i32
          %get3A_462 = arith.index_cast %add3A_461 : i32 to index
          %get3A_463 = arith.index_cast %add3A_388 : i32 to index
          %get3A_464 = arith.constant 48 : index
          %get3A_465 = tpu.vector_load %arg6[%get3A_462, %get3A_463, %get3A_464] {strides = array<i32>} : memref<8x64x64xf32, #tpu.memory_space<vmem>>, vector<1x1x16xf32>,
          %get3A_466 = vector.shape_cast %get3A_465 : vector<1x1x16xf32> to vector<16xf32>
          %mul3A_467 = arith.mulf %get3A_466, %gather3A_386 : vector<16xf32>
          %add3A_468 = arith.addf %add3A_366, %mul3A_467 : vector<16xf32>
          %lt3A_469 = arith.constant 0 : i32
          %lt3A_470 = vector.broadcast %lt3A_469 : i32 to vector<16xi32>
          %lt3A_471 = arith.cmpi slt, %broadcast_in_dim3A_164, %lt3A_470 : vector<16xi32>
          %add3A_472 = arith.constant 16 : i32
          %add3A_473 = vector.broadcast %add3A_472 : i32 to vector<16xi32>
          %add3A_474 = arith.addi %broadcast_in_dim3A_164, %add3A_473 : vector<16xi32>
          %select_n3A_475 = arith.select %lt3A_471, %add3A_474, %broadcast_in_dim3A_164 : vector<16xi1>, vector<16xi32>
          %broadcast_in_dim3A_476 = vector.shape_cast %select_n3A_475 : vector<16xi32> to vector<16x1xi32>
          %gather3A_477 = vector.shape_cast %broadcast_in_dim3A_476 : vector<16x1xi32> to vector<16xi32>
          %gather3A_478 = tpu.dynamic_gather %get3A_98[%gather3A_477] in [0] : vector<16xf32>, vector<16xi32> -> vector<16xf32>
          %lt3A_479 = arith.constant 0 : i32
          %lt3A_480 = vector.broadcast %lt3A_479 : i32 to vector<16xi32>
          %lt3A_481 = arith.cmpi slt, %broadcast_in_dim3A_164, %lt3A_480 : vector<16xi32>
          %add3A_482 = arith.constant 16 : i32
          %add3A_483 = vector.broadcast %add3A_482 : i32 to vector<16xi32>
          %add3A_484 = arith.addi %broadcast_in_dim3A_164, %add3A_483 : vector<16xi32>
          %select_n3A_485 = arith.select %lt3A_481, %add3A_484, %broadcast_in_dim3A_164 : vector<16xi1>, vector<16xi32>
          %broadcast_in_dim3A_486 = vector.shape_cast %select_n3A_485 : vector<16xi32> to vector<16x1xi32>
          %gather3A_487 = vector.shape_cast %broadcast_in_dim3A_486 : vector<16x1xi32> to vector<16xi32>
          %gather3A_488 = tpu.dynamic_gather %get3A_114[%gather3A_487] in [0] : vector<16xf32>, vector<16xi32> -> vector<16xf32>
          %add3A_489 = arith.constant 48 : i32
          %add3A_490 = arith.addi %add3A_489, %scan3A_155 : i32
          %mul3A_491 = arith.constant 2 : i32
          %mul3A_492 = arith.muli %mul3A_491, %rem3A_73 : i32
          %get3A_493 = arith.index_cast %mul3A_492 : i32 to index
          %get3A_494 = arith.index_cast %add3A_490 : i32 to index
          %get3A_495 = arith.constant 0 : index
          %get3A_496 = tpu.vector_load %arg6[%get3A_493, %get3A_494, %get3A_495] {strides = array<i32>} : memref<8x64x64xf32, #tpu.memory_space<vmem>>, vector<1x1x16xf32>,
          %get3A_497 = vector.shape_cast %get3A_496 : vector<1x1x16xf32> to vector<16xf32>
          %mul3A_498 = arith.mulf %get3A_497, %gather3A_478 : vector<16xf32>
          %add3A_499 = arith.addf %add3A_397, %mul3A_498 : vector<16xf32>
          %mul3A_500 = arith.constant 2 : i32
          %mul3A_501 = arith.muli %mul3A_500, %rem3A_73 : i32
          %add3A_502 = arith.constant 1 : i32
          %add3A_503 = arith.addi %mul3A_501, %add3A_502 : i32
          %get3A_504 = arith.index_cast %add3A_503 : i32 to index
          %get3A_505 = arith.index_cast %add3A_490 : i32 to index
          %get3A_506 = arith.constant 0 : index
          %get3A_507 = tpu.vector_load %arg6[%get3A_504, %get3A_505, %get3A_506] {strides = array<i32>} : memref<8x64x64xf32, #tpu.memory_space<vmem>>, vector<1x1x16xf32>,
          %get3A_508 = vector.shape_cast %get3A_507 : vector<1x1x16xf32> to vector<16xf32>
          %mul3A_509 = arith.mulf %get3A_508, %gather3A_488 : vector<16xf32>
          %add3A_510 = arith.addf %add3A_408, %mul3A_509 : vector<16xf32>
          %mul3A_511 = arith.constant 2 : i32
          %mul3A_512 = arith.muli %mul3A_511, %rem3A_73 : i32
          %get3A_513 = arith.index_cast %mul3A_512 : i32 to index
          %get3A_514 = arith.index_cast %add3A_490 : i32 to index
          %get3A_515 = arith.constant 16 : index
          %get3A_516 = tpu.vector_load %arg6[%get3A_513, %get3A_514, %get3A_515] {strides = array<i32>} : memref<8x64x64xf32, #tpu.memory_space<vmem>>, vector<1x1x16xf32>,
          %get3A_517 = vector.shape_cast %get3A_516 : vector<1x1x16xf32> to vector<16xf32>
          %mul3A_518 = arith.mulf %get3A_517, %gather3A_478 : vector<16xf32>
          %add3A_519 = arith.addf %add3A_417, %mul3A_518 : vector<16xf32>
          %mul3A_520 = arith.constant 2 : i32
          %mul3A_521 = arith.muli %mul3A_520, %rem3A_73 : i32
          %add3A_522 = arith.constant 1 : i32
          %add3A_523 = arith.addi %mul3A_521, %add3A_522 : i32
          %get3A_524 = arith.index_cast %add3A_523 : i32 to index
          %get3A_525 = arith.index_cast %add3A_490 : i32 to index
          %get3A_526 = arith.constant 16 : index
          %get3A_527 = tpu.vector_load %arg6[%get3A_524, %get3A_525, %get3A_526] {strides = array<i32>} : memref<8x64x64xf32, #tpu.memory_space<vmem>>, vector<1x1x16xf32>,
          %get3A_528 = vector.shape_cast %get3A_527 : vector<1x1x16xf32> to vector<16xf32>
          %mul3A_529 = arith.mulf %get3A_528, %gather3A_488 : vector<16xf32>
          %add3A_530 = arith.addf %add3A_428, %mul3A_529 : vector<16xf32>
          %mul3A_531 = arith.constant 2 : i32
          %mul3A_532 = arith.muli %mul3A_531, %rem3A_73 : i32
          %get3A_533 = arith.index_cast %mul3A_532 : i32 to index
          %get3A_534 = arith.index_cast %add3A_490 : i32 to index
          %get3A_535 = arith.constant 32 : index
          %get3A_536 = tpu.vector_load %arg6[%get3A_533, %get3A_534, %get3A_535] {strides = array<i32>} : memref<8x64x64xf32, #tpu.memory_space<vmem>>, vector<1x1x16xf32>,
          %get3A_537 = vector.shape_cast %get3A_536 : vector<1x1x16xf32> to vector<16xf32>
          %mul3A_538 = arith.mulf %get3A_537, %gather3A_478 : vector<16xf32>
          %add3A_539 = arith.addf %add3A_437, %mul3A_538 : vector<16xf32>
          %mul3A_540 = arith.constant 2 : i32
          %mul3A_541 = arith.muli %mul3A_540, %rem3A_73 : i32
          %add3A_542 = arith.constant 1 : i32
          %add3A_543 = arith.addi %mul3A_541, %add3A_542 : i32
          %get3A_544 = arith.index_cast %add3A_543 : i32 to index
          %get3A_545 = arith.index_cast %add3A_490 : i32 to index
          %get3A_546 = arith.constant 32 : index
          %get3A_547 = tpu.vector_load %arg6[%get3A_544, %get3A_545, %get3A_546] {strides = array<i32>} : memref<8x64x64xf32, #tpu.memory_space<vmem>>, vector<1x1x16xf32>,
          %get3A_548 = vector.shape_cast %get3A_547 : vector<1x1x16xf32> to vector<16xf32>
          %mul3A_549 = arith.mulf %get3A_548, %gather3A_488 : vector<16xf32>
          %add3A_550 = arith.addf %add3A_448, %mul3A_549 : vector<16xf32>
          %mul3A_551 = arith.constant 2 : i32
          %mul3A_552 = arith.muli %mul3A_551, %rem3A_73 : i32
          %get3A_553 = arith.index_cast %mul3A_552 : i32 to index
          %get3A_554 = arith.index_cast %add3A_490 : i32 to index
          %get3A_555 = arith.constant 48 : index
          %get3A_556 = tpu.vector_load %arg6[%get3A_553, %get3A_554, %get3A_555] {strides = array<i32>} : memref<8x64x64xf32, #tpu.memory_space<vmem>>, vector<1x1x16xf32>,
          %get3A_557 = vector.shape_cast %get3A_556 : vector<1x1x16xf32> to vector<16xf32>
          %mul3A_558 = arith.mulf %get3A_557, %gather3A_478 : vector<16xf32>
          %add3A_559 = arith.addf %add3A_457, %mul3A_558 : vector<16xf32>
          %mul3A_560 = arith.constant 2 : i32
          %mul3A_561 = arith.muli %mul3A_560, %rem3A_73 : i32
          %add3A_562 = arith.constant 1 : i32
          %add3A_563 = arith.addi %mul3A_561, %add3A_562 : i32
          %get3A_564 = arith.index_cast %add3A_563 : i32 to index
          %get3A_565 = arith.index_cast %add3A_490 : i32 to index
          %get3A_566 = arith.constant 48 : index
          %get3A_567 = tpu.vector_load %arg6[%get3A_564, %get3A_565, %get3A_566] {strides = array<i32>} : memref<8x64x64xf32, #tpu.memory_space<vmem>>, vector<1x1x16xf32>,
          %get3A_568 = vector.shape_cast %get3A_567 : vector<1x1x16xf32> to vector<16xf32>
          %mul3A_569 = arith.mulf %get3A_568, %gather3A_488 : vector<16xf32>
          %add3A_570 = arith.addf %add3A_468, %mul3A_569 : vector<16xf32>
          scf.yield %add3A_499, %add3A_519, %add3A_539, %add3A_559, %add3A_510, %add3A_530, %add3A_550, %add3A_570 : vector<16xf32>, vector<16xf32>, vector<16xf32>, vector<16xf32>, vector<16xf32>, vector<16xf32>, vector<16xf32>, vector<16xf32>
        }
        %scan3A_136 = arith.constant 16 : i32
        %broadcast_in_dim3A_137 = arith.constant 0.000000e+00 : f32
        %broadcast_in_dim3A_138 = vector.broadcast %broadcast_in_dim3A_137 : f32 to vector<16xf32>
        %sub3A = arith.subf %scan3A_135#0, %scan3A_135#4 : vector<16xf32>
        %mul3A_139 = arith.mulf %sub3A, %sub3A : vector<16xf32>
        %add3A_140 = arith.addf %broadcast_in_dim3A_138, %mul3A_139 : vector<16xf32>
        %sub3A_141 = arith.subf %scan3A_135#1, %scan3A_135#5 : vector<16xf32>
        %mul3A_142 = arith.mulf %sub3A_141, %sub3A_141 : vector<16xf32>
        %add3A_143 = arith.addf %add3A_140, %mul3A_142 : vector<16xf32>
        %sub3A_144 = arith.subf %scan3A_135#2, %scan3A_135#6 : vector<16xf32>
        %mul3A_145 = arith.mulf %sub3A_144, %sub3A_144 : vector<16xf32>
        %add3A_146 = arith.addf %add3A_143, %mul3A_145 : vector<16xf32>
        %sub3A_147 = arith.subf %scan3A_135#3, %scan3A_135#7 : vector<16xf32>
        %mul3A_148 = arith.mulf %sub3A_147, %sub3A_147 : vector<16xf32>
        %add3A_149 = arith.addf %add3A_146, %mul3A_148 : vector<16xf32>
        %swap3A_150 = arith.index_cast %scan3A_70 : i32 to index
        %swap3A_151 = arith.constant 0 : index
        %swap3A_152 = tpu.vector_load %arg9[%swap3A_150, %swap3A_151] {strides = array<i32>} : memref<8x16xf32, #tpu.memory_space<vmem>>, vector<1x16xf32>,
        %swap3A_153 = vector.shape_cast %swap3A_152 : vector<1x16xf32> to vector<16xf32>
        %swap3A_154 = vector.shape_cast %add3A_149 : vector<16xf32> to vector<1x16xf32>
        tpu.vector_store %arg9[%swap3A_150, %swap3A_151], %swap3A_154 {strides = array<i32>} : memref<8x16xf32, #tpu.memory_space<vmem>>, vector<1x16xf32>,
      }
      %scan3A_69 = arith.constant 8 : i32
    } else {
    }
    %mul3A = arith.constant 8 : i32
    %mul3A_64 = arith.muli %arg1, %mul3A : i32
    "tpu.region"() ({
      %run_scoped3A = tpu.sem_alloc : memref<!tpu.dma_semaphore, #tpu.memory_space<semaphore_mem>>
      %dma_start3A = arith.constant 0 : i32
      %dma_start3A_65 = tpu.memref_slice %arg5[%mul3A_64, %dma_start3A] : memref<128x16xf32, #tpu.memory_space<hbm>> -> memref<8x16xf32, #tpu.memory_space<hbm>>
      %dma_start3A_66 = arith.constant 0 : i32
      %dma_start3A_67 = tpu.memref_slice %arg5[%mul3A_64, %dma_start3A_66] : memref<128x16xf32, #tpu.memory_space<hbm>> -> memref<8x16xf32, #tpu.memory_space<hbm>>
      tpu.enqueue_dma source(%arg9 : memref<8x16xf32, #tpu.memory_space<vmem>>) target(%dma_start3A_67 : memref<8x16xf32, #tpu.memory_space<hbm>>) target_semaphore(%run_scoped3A : memref<!tpu.dma_semaphore, #tpu.memory_space<semaphore_mem>>)
      %dma_wait3A = arith.constant 0 : i32
      %dma_wait3A_68 = tpu.memref_slice %arg5[%mul3A_64, %dma_wait3A] : memref<128x16xf32, #tpu.memory_space<hbm>> -> memref<8x16xf32, #tpu.memory_space<hbm>>
      %dma_wait3A_69 = arith.constant 0 : i32
      %dma_wait3A_70 = tpu.memref_slice %arg5[%mul3A_64, %dma_wait3A_69] : memref<128x16xf32, #tpu.memory_space<hbm>> -> memref<8x16xf32, #tpu.memory_space<hbm>>
      tpu.wait_dma2 semaphore(%run_scoped3A : memref<!tpu.dma_semaphore, #tpu.memory_space<semaphore_mem>>) src(%arg9 : memref<8x16xf32, #tpu.memory_space<vmem>>) dst(%dma_wait3A_70 : memref<8x16xf32, #tpu.memory_space<hbm>>)
      tpu.yield
    }) : () -> ()
    return
  }
}

module attributes {stable_mosaic.version = 14 : i64} {
  func.func @_dense_tc_kernel(%arg0: memref<16x64xf32, #tpu.memory_space<vmem>>, %arg1: memref<240x4096xf32, #tpu.memory_space<vmem>>, %arg2: memref<64x64xf32, #tpu.memory_space<vmem>>, %arg3: memref<240x240xf32, #tpu.memory_space<vmem>>, %arg4: memref<1x1xf32, #tpu.memory_space<vmem>>, %arg5: memref<1x64xf32, #tpu.memory_space<vmem>>) attributes {dimension_semantics = [], scalar_prefetch = 0 : i64, scratch_operands = 0 : i64, tpu.core_type = #tpu.core_type<tc>} {
    %get3A = arith.constant 0 : index
    %get3A_0 = arith.constant 0 : index
    %get3A_1 = vector.load %arg0[%get3A, %get3A_0] : memref<16x64xf32, #tpu.memory_space<vmem>>, vector<16x64xf32>
    %get3A_2 = arith.constant 0 : index
    %get3A_3 = arith.constant 0 : index
    %get3A_4 = vector.load %arg1[%get3A_2, %get3A_3] : memref<240x4096xf32, #tpu.memory_space<vmem>>, vector<240x4096xf32>
    %dot_general3A = arith.constant dense<0.000000e+00> : vector<240x240xf32>
    %dot_general3A_5 = tpu.matmul %get3A_4, %get3A_4, %dot_general3A {dimension_numbers = #tpu.dot_dimension_numbers<[1], [1], [0], [0], [0, 0, 1, 0], [], []>, precision = #tpu.contract_precision<fp32>, transpose_lhs_hint = false} : vector<240x4096xf32>, vector<240x4096xf32>, vector<240x240xf32> -> vector<240x240xf32>
    %iota3A = tpu.iota {dimensions = array<i32: 0>} : vector<240x240xi32>
    %iota3A_6 = tpu.iota {dimensions = array<i32: 1>} : vector<240x240xi32>
    %eq3A = arith.cmpi eq, %iota3A, %iota3A_6 : vector<240x240xi32>
    %convert_element_type3A = arith.extui %eq3A : vector<240x240xi1> to vector<240x240xi32>
    %convert_element_type3A_7 = arith.sitofp %convert_element_type3A : vector<240x240xi32> to vector<240x240xf32>
    %mul3A = arith.mulf %dot_general3A_5, %convert_element_type3A_7 : vector<240x240xf32>
    %reduce_sum3A = arith.constant dense<0.000000e+00> : vector<240xf32>
    %reduce_sum3A_8 = vector.multi_reduction <add>, %mul3A, %reduce_sum3A [1] : vector<240x240xf32> to vector<240xf32>
    %broadcast_in_dim3A = vector.shape_cast %reduce_sum3A_8 : vector<240xf32> to vector<240x1xf32>
    %mul3A_9 = arith.mulf %dot_general3A_5, %convert_element_type3A_7 : vector<240x240xf32>
    %reduce_sum3A_10 = arith.constant dense<0.000000e+00> : vector<240xf32>
    %reduce_sum3A_11 = vector.multi_reduction <add>, %mul3A_9, %reduce_sum3A_10 [0] : vector<240x240xf32> to vector<240xf32>
    %broadcast_in_dim3A_12 = vector.shape_cast %reduce_sum3A_11 : vector<240xf32> to vector<1x240xf32>
    %add3A = vector.broadcast %broadcast_in_dim3A : vector<240x1xf32> to vector<240x240xf32>
    %add3A_13 = vector.broadcast %broadcast_in_dim3A_12 : vector<1x240xf32> to vector<240x240xf32>
    %add3A_14 = arith.addf %add3A, %add3A_13 : vector<240x240xf32>
    %mul3A_15 = arith.constant 2.000000e+00 : f32
    %mul3A_16 = vector.broadcast %mul3A_15 : f32 to vector<240x240xf32>
    %mul3A_17 = arith.mulf %mul3A_16, %dot_general3A_5 : vector<240x240xf32>
    %sub3A = arith.subf %add3A_14, %mul3A_17 : vector<240x240xf32>
    %max3A = arith.constant 0.000000e+00 : f32
    %max3A_18 = vector.broadcast %max3A : f32 to vector<240x240xf32>
    %max3A_19 = arith.maximumf %sub3A, %max3A_18 : vector<240x240xf32>
    %sqrt3A = math.sqrt %max3A_19 : vector<240x240xf32>
    %get3A_20 = arith.constant 0 : index
    %get3A_21 = arith.constant 0 : index
    %get3A_22 = vector.load %arg3[%get3A_20, %get3A_21] : memref<240x240xf32, #tpu.memory_space<vmem>>, vector<240x240xf32>
    %mul3A_23 = arith.mulf %sqrt3A, %get3A_22 : vector<240x240xf32>
    %reduce_sum3A_24 = vector.shape_cast %mul3A_23 : vector<240x240xf32> to vector<1x240x240xf32>
    %reduce_sum3A_25 = arith.constant dense<0.000000e+00> : vector<1xf32>
    %reduce_sum3A_26 = vector.multi_reduction <add>, %reduce_sum3A_24, %reduce_sum3A_25 [1, 2] : vector<1x240x240xf32> to vector<1xf32>
    %reduce_sum3A_27 = vector.shape_cast %reduce_sum3A_26 : vector<1xf32> to vector<1x1x1xf32>
    %reduce_sum3A_28 = vector.extract %reduce_sum3A_27[0, 0, 0] : f32 from vector<1x1x1xf32>
    %div3A = arith.constant 3.360000e+03 : f32
    %div3A_29 = arith.divf %reduce_sum3A_28, %div3A : f32
    %broadcast_in_dim3A_30 = vector.broadcast %div3A_29 : f32 to vector<1x1xf32>
    %swap3A = arith.constant 0 : index
    %swap3A_31 = arith.constant 0 : index
    %swap3A_32 = vector.load %arg4[%swap3A, %swap3A_31] : memref<1x1xf32, #tpu.memory_space<vmem>>, vector<1x1xf32>
    tpu.vector_store %arg4[%swap3A, %swap3A_31], %broadcast_in_dim3A_30 {strides = array<i32>} : memref<1x1xf32, #tpu.memory_space<vmem>>, vector<1x1xf32>,
    %reduce_sum3A_33 = arith.constant dense<0.000000e+00> : vector<64xf32>
    %reduce_sum3A_34 = vector.multi_reduction <add>, %get3A_1, %reduce_sum3A_33 [0] : vector<16x64xf32> to vector<64xf32>
    %broadcast_in_dim3A_35 = vector.shape_cast %reduce_sum3A_34 : vector<64xf32> to vector<1x64xf32>
    %div3A_36 = arith.constant 1.600000e+01 : f32
    %div3A_37 = vector.broadcast %div3A_36 : f32 to vector<1x64xf32>
    %div3A_38 = arith.divf %broadcast_in_dim3A_35, %div3A_37 : vector<1x64xf32>
    %get3A_39 = arith.constant 0 : index
    %get3A_40 = arith.constant 0 : index
    %get3A_41 = vector.load %arg2[%get3A_39, %get3A_40] : memref<64x64xf32, #tpu.memory_space<vmem>>, vector<64x64xf32>
    %dot_general3A_42 = arith.constant dense<0.000000e+00> : vector<1x64xf32>
    %dot_general3A_43 = tpu.matmul %div3A_38, %get3A_41, %dot_general3A_42 {dimension_numbers = #tpu.dot_dimension_numbers<[1], [1], [0], [0], [0, 0, 1, 0], [], []>, precision = #tpu.contract_precision<fp32>, transpose_lhs_hint = false} : vector<1x64xf32>, vector<64x64xf32>, vector<1x64xf32> -> vector<1x64xf32>
    %swap3A_44 = arith.constant 0 : index
    %swap3A_45 = arith.constant 0 : index
    %swap3A_46 = vector.load %arg5[%swap3A_44, %swap3A_45] : memref<1x64xf32, #tpu.memory_space<vmem>>, vector<1x64xf32>
    tpu.vector_store %arg5[%swap3A_44, %swap3A_45], %dot_general3A_43 {strides = array<i32>} : memref<1x64xf32, #tpu.memory_space<vmem>>, vector<1x64xf32>,
    return
  }
}

module attributes {stable_mosaic.version = 14 : i64} {
  func.func @_defect_epilogue_kernel(%arg0: memref<128x16xf32, #tpu.memory_space<vmem>>, %arg1: memref<120x2xf32, #tpu.memory_space<vmem>>, %arg2: memref<1x3xf32, #tpu.memory_space<vmem>>) attributes {dimension_semantics = [], scalar_prefetch = 0 : i64, scratch_operands = 0 : i64, tpu.core_type = #tpu.core_type<tc>} {
    %get3A = arith.constant 0 : index
    %get3A_0 = arith.constant 0 : index
    %get3A_1 = vector.load %arg0[%get3A, %get3A_0] : memref<128x16xf32, #tpu.memory_space<vmem>>, vector<128x16xf32>
    %reduce_sum3A = arith.constant dense<0.000000e+00> : vector<128xf32>
    %reduce_sum3A_2 = vector.multi_reduction <add>, %get3A_1, %reduce_sum3A [1] : vector<128x16xf32> to vector<128xf32>
    %broadcast_in_dim3A = vector.shape_cast %reduce_sum3A_2 : vector<128xf32> to vector<128x1xf32>
    %slice3A = vector.extract_strided_slice %broadcast_in_dim3A {offsets = [0, 0], sizes = [120, 1], strides = [1, 1]} : vector<128x1xf32> to vector<120x1xf32>
    %sqrt3A = math.sqrt %slice3A : vector<120x1xf32>
    %broadcast_in_dim3A_3 = vector.shape_cast %sqrt3A : vector<120x1xf32> to vector<120x1xf32>
    %broadcast_in_dim3A_4 = vector.broadcast %broadcast_in_dim3A_3 : vector<120x1xf32> to vector<120x2xf32>
    %swap3A = arith.constant 0 : index
    %swap3A_5 = arith.constant 0 : index
    %swap3A_6 = vector.load %arg1[%swap3A, %swap3A_5] : memref<120x2xf32, #tpu.memory_space<vmem>>, vector<120x2xf32>
    tpu.vector_store %arg1[%swap3A, %swap3A_5], %broadcast_in_dim3A_4 {strides = array<i32>} : memref<120x2xf32, #tpu.memory_space<vmem>>, vector<120x2xf32>,
    %reduce_max3A = vector.shape_cast %sqrt3A : vector<120x1xf32> to vector<1x120x1xf32>
    %reduce_max3A_7 = arith.constant dense<0xFF800000> : vector<1xf32>
    %reduce_max3A_8 = vector.multi_reduction <maximumf>, %reduce_max3A, %reduce_max3A_7 [1, 2] : vector<1x120x1xf32> to vector<1xf32>
    %reduce_max3A_9 = vector.shape_cast %reduce_max3A_8 : vector<1xf32> to vector<1x1x1xf32>
    %reduce_max3A_10 = vector.extract %reduce_max3A_9[0, 0, 0] : f32 from vector<1x1x1xf32>
    %reduce_sum3A_11 = vector.shape_cast %sqrt3A : vector<120x1xf32> to vector<1x120x1xf32>
    %reduce_sum3A_12 = arith.constant dense<0.000000e+00> : vector<1xf32>
    %reduce_sum3A_13 = vector.multi_reduction <add>, %reduce_sum3A_11, %reduce_sum3A_12 [1, 2] : vector<1x120x1xf32> to vector<1xf32>
    %reduce_sum3A_14 = vector.shape_cast %reduce_sum3A_13 : vector<1xf32> to vector<1x1x1xf32>
    %reduce_sum3A_15 = vector.extract %reduce_sum3A_14[0, 0, 0] : f32 from vector<1x1x1xf32>
    %div3A = arith.constant 1.200000e+02 : f32
    %div3A_16 = arith.divf %reduce_sum3A_15, %div3A : f32
    %neg3A = arith.constant 0.000000e+00 : f32
    %neg3A_17 = arith.subf %neg3A, %div3A_16 : f32
    %div3A_18 = arith.constant 5.000000e-01 : f32
    %div3A_19 = arith.divf %neg3A_17, %div3A_18 : f32
    %exp3A = math.exp %div3A_19 : f32
    %broadcast_in_dim3A_20 = vector.broadcast %reduce_max3A_10 : f32 to vector<1x1xf32>
    %broadcast_in_dim3A_21 = vector.broadcast %div3A_16 : f32 to vector<1x1xf32>
    %broadcast_in_dim3A_22 = vector.broadcast %exp3A : f32 to vector<1x1xf32>
    %concatenate3A = tpu.concatenate %broadcast_in_dim3A_20, %broadcast_in_dim3A_21, %broadcast_in_dim3A_22 in 1 : vector<1x1xf32>, vector<1x1xf32>, vector<1x1xf32> -> vector<1x3xf32>
    %swap3A_23 = arith.constant 0 : index
    %swap3A_24 = arith.constant 0 : index
    %swap3A_25 = vector.load %arg2[%swap3A_23, %swap3A_24] : memref<1x3xf32, #tpu.memory_space<vmem>>, vector<1x3xf32>
    tpu.vector_store %arg2[%swap3A_23, %swap3A_24], %concatenate3A {strides = array<i32>} : memref<1x3xf32, #tpu.memory_space<vmem>>, vector<1x3xf32>,
    return
  }
}

</mosaic_0001>

<sc_bundles>
// kernel: kernel.5.cloned.1.call-start
scs
__scs_entry_jumppad:
0x0: {  	(pc) =	sbr.rel $0x88, $3  }
0x1: {  	(tag) =	ssettag $0x0;
	lr =	simm.s32 $0x1  }
0x2: {  	[smem:$0x3F9E] =	sst lr;
	_ =	strace $0xD0000000  }
0x3: {  	_ = 	snop  }
0x4: {  	_ = 	snop  }
0x5: {  	_ = 	snop  }
0x6: {  	_ = 	snop  }
0x7: {  	_ = 	snop  }
__scs_overlays_trampoline_lowered:
0x8: {  	[smem:$0x3FAD] =	sst s0  }
0x9: {  	[smem:$0x3FAE] =	sst s1  }
0xa: {  	[smem:$0x3FAF] =	sst s2  }
0xb: {  	[smem:$0x3FB0] =	sst s3  }
0xc: {  	[smem:$0x3FB1] =	sst s4  }
0xd: {  	[smem:$0x3FB2] =	sst s5  }
0xe: {  	[smem:$0x3FB3] =	sst s6  }
0xf: {  	[smem:$0x3FB4] =	sst s7  }
0x10: {  	[smem:$0x3FB5] =	sst s8  }
0x11: {  	[smem:$0x3FB6] =	sst s9;
	s0 =	simm.s32 @!p0 $0x0  }
0x12: {  	s1 =	sld [smem:$0x3F9C];
	s0 =	simm.s32 @p0 $0x1  }
0x13: {  	[smem:$0x3FB7] =	sst s0;
	s0 =	simm.s32 @!p1 $0x0  }
0x14: {  	s2 =	sld [smem:$0x3F9B];
	s0 =	simm.s32 @p1 $0x1  }
0x15: {  	[smem:$0x3FB8] =	sst s0;
	s0 =	simm.s32 @!p2 $0x0  }
0x16: {  	s3 =	sld [smem:$0x3FDB];
	s0 =	simm.s32 @p2 $0x1  }
0x17: {  	s4 =	simm.s32 $0x1BF5;
	[smem:$0x3FBA] =	sst s0  }
0x18: {  	s0 =	sld [smem:$0x3F9D];
	_ =	swait.ge [sflag:s4], $0x0  }
0x19: {  	s7 =	sld [smem:$0x3F9E]  }
0x1a: {  	s8 =	sadd.s32 $0xFFFFE003, lr  }
0x1b: {  	s9 =	sadd.s32 $0xFFFFFEF7, lr;
	s5 =	simm.s32 $0xFFFFFFFF;
	p2 =	slt.u32 s8, $0xFFFFF086  }
0x1c: {  	p1 =	slt.u32 s9, $0xF7A;
	s5 =	simm.s32 @!p2 $0x0  }
0x1d: {  	s5 =	simm.s32 @p1 $0x1;
	p0 =	seq.s32 s7, s2  }
0x1e: {  	s7 =	smul.u32 @!p0 $0xF7A, s2;
	p2 =	seq.s32 @!p0 s5, $0x0  }
0x1f: {  	s9 =	smul.u32 $0xF7A, s1;
	s8 =	simm.s32 @!p0 $0x1BF5;
	p2 =	por !p2, p0  }
0x20: {  	[sflag:s8] =	ssyncset.s32 @!p0 $0xFFFFF086;
	s6 =	sadd.s32 @!p0 s3, s7;
	s7 =	simm.s32 @!p0 $0x108  }
0x21: {  	s3 =	sadd.s32 s3, s9;
	s6 =	sadd.s32 @!p0 $0x88, s6;
	s7 =	simm.s32 @p2 $0x1082  }
0x22: {  	[simem:s7], [sflag:s8] =	dma.local @!p0 [hbm:s6], $0xF7A  }
0x23: {  	s9 =	sor.u32 $0xD0000000, s2;
	s6 =	simm.s32 $0x108;
	_ =	swait.ge @!p0 [sflag:s8], $0x0  }
0x24: {  	s3 =	sadd.s32 $0x88, s3;
	s6 =	simm.s32 @!p1 $0x1082;
	[sflag:s4] =	ssyncset.s32 $0xFFFFF086  }
0x25: {  	[simem:s6], [sflag:s4] =	dma.local [hbm:s3], $0xF7A  }
0x26: {  	[smem:$0x3F9E] =	sst s1;
	(tag) =	ssettag s2;
	_ =	strace s9  }
0x27: {  	s1 =	sld [smem:$0x3FAE]  }
0x28: {  	s2 =	sld [smem:$0x3FAF]  }
0x29: {  	s4 =	sld [smem:$0x3FB1]  }
0x2a: {  	p0 =	seq.s32 s5, $0x0;
	s5 =	sld [smem:$0x3FB2]  }
0x2b: {  	s6 =	sld [smem:$0x3FB3]  }
0x2c: {  	s7 =	sld [smem:$0x3FB4]  }
0x2d: {  	s3 =	simm.s32 $0x108;
	s8 =	sld [smem:$0x3FB5]  }
0x2e: {  	s3 =	simm.s32 @!p0 $0x1082;
	s9 =	sld [smem:$0x3FB6]  }
0x2f: {  	lr =	sadd.s32 s0, s3;
	s0 =	sld [smem:$0x3FAD]  }
0x30: {  	s3 =	sld [smem:$0x3FB0]  }
0x31: {  	[smem:$0x3FB9] =	sst s10  }
0x32: {  	s10 =	sld [smem:$0x3FB7];
	_ =	sdelay $0x3  }
0x33: {  	p0 =	seq.s32 s10, $0x1;
	s10 =	sld [smem:$0x3FB9];
	_ =	sdelay $0x3  }
0x34: {  	[smem:$0x3FB9] =	sst s10  }
0x35: {  	s10 =	sld [smem:$0x3FB8];
	_ =	sdelay $0x3  }
0x36: {  	p1 =	seq.s32 s10, $0x1;
	s10 =	sld [smem:$0x3FB9];
	_ =	sdelay $0x3  }
0x37: {  	[smem:$0x3FB9] =	sst s10  }
0x38: {  	s10 =	sld [smem:$0x3FBA]  }
0x39: {  	_ = 	snop;
	(pc) =	sbr.ind lr, $3  }
0x3a: {  	_ = 	snop  }
0x3b: {  	_ = 	snop  }
0x3c: {  	p2 =	seq.s32 s10, $0x1;
	s10 =	sld [smem:$0x3FB9]  }
0x3d: {  	_ =	shalt  }
0x3e: {  	_ =	shalt  }
0x3f: {  	_ =	shalt  }
0x40: {  	_ =	shalt  }
0x41: {  	_ =	shalt  }
0x42: {  	_ =	shalt  }
0x43: {  	_ =	shalt  }
0x44: {  	_ =	shalt  }
0x45: {  	_ =	shalt  }
0x46: {  	_ =	shalt  }
0x47: {  	_ =	shalt  }
0x48: {  	_ =	shalt  }
0x49: {  	_ =	shalt  }
0x4a: {  	_ =	shalt  }
0x4b: {  	_ =	shalt  }
0x4c: {  	_ =	shalt  }
0x4d: {  	_ =	shalt  }
0x4e: {  	_ =	shalt  }
0x4f: {  	_ =	shalt  }
0x50: {  	_ =	shalt  }
0x51: {  	_ =	shalt  }
0x52: {  	_ =	shalt  }
0x53: {  	_ =	shalt  }
0x54: {  	_ =	shalt  }
0x55: {  	_ =	shalt  }
0x56: {  	_ =	shalt  }
0x57: {  	_ =	shalt  }
0x58: {  	_ =	shalt  }
0x59: {  	_ =	shalt  }
0x5a: {  	_ =	shalt  }
0x5b: {  	_ =	shalt  }
0x5c: {  	_ =	shalt  }
0x5d: {  	_ =	shalt  }
0x5e: {  	_ =	shalt  }
0x5f: {  	_ =	shalt  }
0x60: {  	_ =	shalt  }
0x61: {  	_ =	shalt  }
0x62: {  	_ =	shalt  }
0x63: {  	_ =	shalt  }
0x64: {  	_ =	shalt  }
0x65: {  	_ =	shalt  }
0x66: {  	_ =	shalt  }
0x67: {  	_ =	shalt  }
0x68: {  	_ =	shalt  }
0x69: {  	_ =	shalt  }
0x6a: {  	_ =	shalt  }
0x6b: {  	_ =	shalt  }
0x6c: {  	_ =	shalt  }
0x6d: {  	_ =	shalt  }
0x6e: {  	_ =	shalt  }
0x6f: {  	_ =	shalt  }
0x70: {  	_ =	shalt  }
0x71: {  	_ =	shalt  }
0x72: {  	_ =	shalt  }
0x73: {  	_ =	shalt  }
0x74: {  	_ =	shalt  }
0x75: {  	_ =	shalt  }
0x76: {  	_ =	shalt  }
0x77: {  	_ =	shalt  }
0x78: {  	_ =	shalt  }
0x79: {  	_ =	shalt  }
0x7a: {  	_ =	shalt  }
0x7b: {  	_ =	shalt  }
0x7c: {  	_ =	shalt  }
0x7d: {  	_ =	shalt  }
0x7e: {  	_ =	shalt  }
0x7f: {  	_ =	shalt  }
0x80: {  	_ =	shalt  }
0x81: {  	_ =	shalt  }
0x82: {  	_ =	shalt  }
0x83: {  	_ =	shalt  }
0x84: {  	_ =	shalt  }
0x85: {  	_ =	shalt  }
0x86: {  	_ =	shalt  }
0x87: {  	_ =	shalt  }
.Lfunc_end0:
.L_simem_size_0:
called_computation_lowered:
.L_overlay_start_0:
0x88: {  	s0 =	sld [smem:$0x3FD9]  }
0x89: {  	s1 =	sld [smem:$0x3FFE];
	_ =	sdelay $0x3  }
0x8a: {  	s0 =	sadd.s32 s1, s0  }
0x8b: {  	[smem:$0x3FC5] =	sst s0  }
0x8c: {  	_ = 	snop  }
0x8d: {  	s0 =	sld [smem:$0x3FC9];
	(tm) =	ssettm $0x1  }
0x8e: {  	s16 =	sld [smem:$0x3FFB];
	_ =	sdelay $0x3  }
0x8f: {  	_ =	strace s16  }
0x90: {  	s1 =	sld [smem:$0x3FFC];
	_ =	sdelay $0x3  }
0x91: {  	_ =	strace s1  }
0x92: {  	s1 =	sld [smem:$0x3FFD];
	_ =	sdelay $0x3  }
0x93: {  	_ =	strace s1  }
0x94: {  	_ =	strace $0x8FFFFFFF  }
0x95: {  	s17 =	sld [smem:$0x3FDB];
	_ =	sdelay $0x1  }
0x96: {  	s2 =	simm.s32 $_scs_section_size  }
0x97: {  	s3 =	simm.s32 $_size__tile_overlayer_lowered;
	s4 =	simm.s32 $_tile_overlayer_lowered  }
0x98: {  	s20 =	simm.s32 $0x1BFF;
	s19 =	sshll.u32 s4, $0x1;
	s1 =	sadd.s32 s2, s17  }
0x99: {  	s5 =	simm.s32 $0x0;
	s18 =	sshll.u32 s3, $0x1;
	s3 =	sadd.s32 s19, s1  }
0x9a: {  	[timem:s5], [sflag:s20] =	dma.local [hbm:s3], s18  }
0x9b: {  	_ =	swait.ge [sflag:s20], s18  }
0x9c: {  	s2 =	ssub.s32 $0x0, s18;
	[sflag:s20] =	ssyncset.done $0x0  }
0x9d: {  	[sflag:s20] =	ssyncadd.s32 s2;
	_ =	sdelay $0x1  }
0x9e: {  	s21 =	simm.s32 $0x1B8B  }
0x9f: {  	_ =	swait.ge [sflag:s21], $0x1  }
0xa0: {  	[sflag:s21] =	ssyncset.done $0x0  }
0xa1: {  	s23 =	simm.s32 $0x1B8E;
	s22 =	sld [smem:$0x3FFE];
	[sflag:s21] =	ssyncadd.s32 $0xFFFFFFFF  }
0xa2: {  	s24 =	simm.s32 $execute0_lowered;
	[smem:$0x3FD2] =	sst s23  }
0xa3: {  	s3 =	sshll.u32 s24, $0x1;
	_ =	strace $0x80000046;
	[dreg:$0x1] =	wrdreg $0xFFFFFFFF  }
0xa4: {  	s25 =	simm.s32 $_size_execute0_lowered;
	s1 =	sadd.s32 s1, s3;
	[dreg:$0x0] =	wrdreg $0x0  }
0xa5: {  	s3 =	sshll.u32 s25, $0x1;
	[dreg:$0x2] =	wrdreg s1  }
0xa6: {  	[dreg:$0x3] =	wrdreg s3  }
0xa7: {  	[dreg:$0x4] =	wrdreg $0xC0  }
0xa8: {  	_ =	task [dreg:s5], $0x5FFFF  }
0xa9: {  	[dreg:$0x1] =	wrdreg $0xFFFFFFFF  }
0xaa: {  	[dreg:$0x0] =	wrdreg $0x60  }
0xab: {  	[dreg:$0x2] =	wrdreg s22  }
0xac: {  	[dreg:$0x3] =	wrdreg s0  }
0xad: {  	[dreg:$0x4] =	wrdreg $0x9  }
0xae: {  	_ =	task.clear_ibuf [dreg:s5], $0x5FFFF;
	_ =	strace $0x90000046  }
0xaf: {  	s26 =	simm.s32 $0x9;
	_ =	strace $0x80000048  }
0xb0: {  	_ =	swait.ge [sflag:s26], $0x1  }
0xb1: {  	[sflag:s26] =	ssyncadd.s32 $0xFFFFFFFF  }
0xb2: {  	_ =	strace $0x90000048  }
0xb3: {  	_ =	sfence  }
0xb4: {  	s28 =	sld [smem:$0x0];
	_ =	sdelay $0x1  }
0xb5: {  	s29 =	srdreg.scid  }
0xb6: {  	s30 =	sshll.u32 s29, $0xD;
	s31 =	sshrl.u32 s29, $0x2  }
0xb7: {  	s2 =	sand.u32 $0x4000, s30;
	s1 =	sand.u32 $0x1, s29;
	s0 =	sadd.s32 s31, s28  }
0xb8: {  	s1 =	sor.u32 s2, s1;
	s0 =	sshll.u32 s0, $0x11  }
0xb9: {  	s0 =	sor.u32 s0, s1  }
0xba: {  	s0 =	sadd.s32 $0x8F2B, s0  }
0xbb: {  	[sflag:s0] =	ssyncadd.remote.s32 $0x1  }
0xbc: {  	_ =	sfence.sel $0xFFFF  }
0xbd: {  	[dreg:$0x0] =	wrdreg $0xFFFFFFFF;
	(pc) =	sbr.abs _section_cstart, $3  }
0xbe: {  	[dreg:$0x1] =	wrdreg $0xFFFFFFFF  }
0xbf: {  	_ =	task.clear_ibuf [dreg:s5], $0x2FFFF;
	_ =	strace $0x9FFFFFFF  }
0xc0: {  	(tm) =	ssettm $0x7FFFFFFF  }
0xc1: {  	_ =	shalt  }
tec
execute0_lowered:
.L_overlay_start_1:
0x0: {  	(tag) =	ssettag $0x1  }
0x1: {  	s5 =	rddreg [dreg:$0x0]  }
0x2: {  	s1 =	rddreg [dreg:$0x1];
	s2 =	simm.s32 $0x0  }
0x3: {  	[smem:$0x7FF] =	sst s2  }
0x4: {  	s0 =	rddreg [dreg:$0x2];
	s3 =	simm.s32 $0x10000;
	_ =	strace $0x80000047  }
0x5: {  	[tilespmem:s3], [sflag:$0x1] =	stream.linear.gather [hbm4b:s1+s2], $0x800, $0x38;
	[tilespmem:$0x14C00] =	vst v63  }
0x6: {  	s1 =	simm.s32 $0x1  }
0x7: {  	_ =	swait.ge [sflag:s1], $0x800  }
0x8: {  	[sflag:s1] =	ssyncset.done $0x0  }
0x9: {  	s4 =	simm.s32 $0x10800;
	s30 =	sadd.s32 $0x3D600, s5;
	[sflag:s1] =	ssyncadd.s32 $0xFFFFF800  }
0xa: {  	[tilespmem:s4], [sflag:$0x1] =	stream.linear.gather [hbm4b:s30+s2], $0x4000, $0x38;
	[tilespmem:$0x14C00] =	vst v63  }
0xb: {  	_ =	swait.ge [sflag:s1], $0x4000  }
0xc: {  	[sflag:s1] =	ssyncset.done $0x0  }
0xd: {  	v0 =	vimm.f32 $0.0e+00;
	[sflag:s1] =	ssyncadd.s32 $0xFFFFC000  }
0xe: {  	[tilespmem:$0x14800] =	vst v0  }
0xf: {  	s3 =	stileid.u32;
	[tilespmem:$0x14880] =	vst v0  }
0x10: {  	p0 =	seq.s32 s3, $0xF;
	[tilespmem:$0x14900] =	vst v0  }
.Ltmp0:
0x11: {  	[tilespmem:$0x14980] =	vst v0;
	(pc) =	sbr.rel @p0 .LBB2_5-.Ltmp0, $4  }
0x12: {  	[tilespmem:$0x14A00] =	vst v0  }
0x13: {  	s31 =	sshll.u32 s3, $0x7;
	[tilespmem:$0x14A80] =	vst v0  }
0x14: {  	s4 =	sadd.s32 s31, s5;
	[tilespmem:$0x14B00] =	vst v0  }
0x15: {  	s4 =	sadd.s32 $0x3DE00, s4;
	[tilespmem:$0x14B80] =	vst v0  }
0x16: {  	s5 =	sadd.s32 $0x1600, s5;
	s6 =	sshll.u32 s3, $0x3;
	s7 =	simm.s32 $0x0  }
.LBB2_2:
0x17: {  	s8 =	sand.u32 $0x3, s7  }
0x18: {  	s9 =	sadd.s32 s6, s7;
	p0 =	sne.s32 s8, $0x0  }
0x19: {  	s8 =	sshll.u32 @!p0 s9, $0xB  }
0x1a: {  	s10 =	simm.s32 @!p0 $0x0;
	s8 =	sadd.s32 @!p0 s5, s8  }
0x1b: {  	[tilespmem:s10], [sflag:$0x1] =	stream.linear.gather @!p0 [hbm4b:s8+s10], $0x10000, $0x38;
	[tilespmem:$0x14C00] =	vst v63  }
0x1c: {  	s8 =	simm.s32 @!p0 $0x1  }
0x1d: {  	_ =	swait.ge @!p0 [sflag:s8], $0x10000  }
0x1e: {  	s9 =	sshll.u32 s9, $0x7;
	[sflag:s8] =	ssyncset.done @!p0 $0x0  }
0x1f: {  	s26 =	sand.u32 $0x3FFFFF80, s9;
	[sflag:s8] =	ssyncadd.s32 @!p0 $0xFFFF0000  }
0x20: {  	v0 =	vld [tilespmem:s26+$0x10800];
	_ =	sdelay $0x4  }
0x21: {  	v0 =	vshll.u32 v0, $0x9  }
0x22: {  	v0 =	vshra.s32 v0, $0x2  }
0x23: {  	(v2sf) =	vpush v0, $0x0;
	_ =	sdelay $0x3  }
0x24: {  	s30 =	sand.u32 $0x3, s2;
	(v2sf) =	vpush v0, $0x1  }
0x25: {  	s8 =	sshll.u32 s30, $0xE  }
0x26: {  	s8 =	sor.u32 $0x2000, s8  }
0x27: {  	v12 =	vld [tilespmem:s8+$0xFFFFF800]  }
0x28: {  	v13 =	vld [tilespmem:s8+$0x1800]  }
0x29: {  	v16 =	vld [tilespmem:s8+$0xFFFFF810]  }
0x2a: {  	v17 =	vld [tilespmem:s8+$0x1810]  }
0x2b: {  	v18 =	vld [tilespmem:s8+$0xFFFFF820]  }
0x2c: {  	v19 =	vld [tilespmem:s8+$0x1820]  }
0x2d: {  	v20 =	vld [tilespmem:s8+$0xFFFFF000]  }
0x2e: {  	v22 =	vld [tilespmem:s8+$0x1000]  }
0x2f: {  	v30 =	vld [tilespmem:s8+$0xFFFFF010];
	s28 =	spop (v2sf)  }
0x30: {  	v0 =	vld [tilespmem:s28+$0x10000]  }
0x31: {  	v1 =	vld [tilespmem:s28+$0x10010]  }
0x32: {  	v2 =	vld [tilespmem:s28+$0x10020]  }
0x33: {  	v3 =	vld [tilespmem:s28+$0x10030];
	s29 =	spop (v2sf)  }
0x34: {  	s31 =	simm.s32 $0x0;
	v4 =	vld [tilespmem:s29+$0x10000]  }
0x35: {  	v5 =	vmov s31;
	v7 =	vld [tilespmem:s29+$0x10020]  }
0x36: {  	v5 =	vand.u32 $0xF, v5;
	v8 =	vld [tilespmem:s29+$0x10030]  }
0x37: {  	v21 =	vbroadcast v5, $0x0;
	v6 =	vld [tilespmem:s29+$0x10010]  }
0x38: {  	v31 =	vld [tilespmem:s8+$0x1010]  }
0x39: {  	v32 =	vld [tilespmem:s8+$0xFFFFF020];
	v9 =	vperm.xlane v3, v21;
	v11 =	vperm.xlane v2, v21  }
0x3a: {  	v36 =	vld [tilespmem:s8+$0xFFFFE000];
	v15 =	vperm.xlane v1, v21;
	v23 =	vperm.xlane v0, v21  }
0x3b: {  	v33 =	vld [tilespmem:s8+$0x1020];
	v5 =	vperm.xlane v8, v21;
	v10 =	vperm.xlane v7, v21  }
0x3c: {  	v34 =	vld [tilespmem:s8+$0xFFFFE800];
	v14 =	vperm.xlane v6, v21;
	v21 =	vperm.xlane v4, v21  }
0x3d: {  	v35 =	vld [tilespmem:s8+$0x800];
	v24 =	vmul.f32 v12, v9;
	v26 =	vmul.f32 v16, v9  }
0x3e: {  	v37 =	vld [tilespmem:s8+$0x0];
	v12 =	vmul.f32 v18, v9;
	v28 =	vmul.f32 v20, v11  }
0x3f: {  	v44 =	vld [tilespmem:s8+$0x810];
	v30 =	vmul.f32 v30, v11;
	v36 =	vmul.f32 v36, v23  }
0x40: {  	v18 =	vld [tilespmem:s8+$0x10];
	v25 =	vmul.f32 v13, v5;
	v27 =	vmul.f32 v17, v5  }
0x41: {  	v17 =	vld [tilespmem:s8+$0xFFFFE010];
	v13 =	vmul.f32 v19, v5;
	v29 =	vmul.f32 v22, v10  }
0x42: {  	v22 =	vld [tilespmem:s8+$0xFFFFE810];
	v31 =	vmul.f32 v31, v10;
	v19 =	vmul.f32 v32, v11  }
0x43: {  	v20 =	vmul.f32 v33, v10;
	v32 =	vmul.f32 v34, v15  }
0x44: {  	v33 =	vmul.f32 v35, v14;
	v34 =	vld [tilespmem:s8+$0xFFFFE820];
	v37 =	vmul.f32 v37, v21  }
0x45: {  	v16 =	vimm.f32 $0.0e+00;
	v35 =	vld [tilespmem:s8+$0x820];
	v44 =	vmul.f32 v44, v14;
	v18 =	vmul.f32 v18, v21  }
0x46: {  	v38 =	vld [tilespmem:s8+$0xFFFFE020];
	v40 =	vadd.f32 v36, v16;
	v41 =	vadd.f32 v37, v16;
	v17 =	vmul.f32 v17, v23  }
0x47: {  	v36 =	vld [tilespmem:s8+$0x20];
	v39 =	vmul.f32 v22, v15;
	v22 =	vimm.f32 $0.0e+00;
	v43 =	vadd.f32 v18, v16  }
0x48: {  	s9 =	simm.s32 $0x1;
	v37 =	vld [tilespmem:s8+$0xFFFFE030];
	v18 =	vimm.f32 $0.0e+00;
	v42 =	vadd.f32 v17, v16;
	v17 =	vimm.f32 $0.0e+00  }
.LBB2_3:
0x49: {  	p0 =	sne.s32 s9, $0xF;
	v45 =	vld [tilespmem:s8+$0x30];
	v32 =	vadd.f32 v32, v40;
	v33 =	vadd.f32 v33, v41;
	v34 =	vmul.f32 v34, v15  }
0x4a: {  	v39 =	vadd.f32 v39, v42;
	v40 =	vadd.f32 v44, v43;
	v35 =	vmul.f32 v35, v14;
	v41 =	vld [tilespmem:s8+$0xFFFFE830]  }
0x4b: {  	v38 =	vmul.f32 v38, v23;
	v42 =	vld [tilespmem:s8+$0x830];
	v28 =	vadd.f32 v28, v32;
	v29 =	vadd.f32 v29, v33  }
0x4c: {  	v32 =	vmul.f32 v36, v21;
	v30 =	vadd.f32 v30, v39;
	v31 =	vadd.f32 v31, v40;
	v33 =	vld [tilespmem:s8+$0xFFFFF030]  }
0x4d: {  	v23 =	vmul.f32 v37, v23;
	v36 =	vld [tilespmem:s8+$0x1030];
	v37 =	vadd.f32 v24, v28;
	v39 =	vadd.f32 v25, v29  }
0x4e: {  	v21 =	vmul.f32 v45, v21;
	v43 =	vadd.f32 v26, v30;
	v44 =	vadd.f32 v27, v31;
	v24 =	vld [tilespmem:s8+$0xFFFFF830]  }
0x4f: {  	v16 =	vadd.f32 v38, v16;
	v22 =	vadd.f32 v32, v22;
	v15 =	vmul.f32 v41, v15;
	v25 =	vld [tilespmem:s8+$0x1830];
	s8 =	sadd.s32 $0x80, s8  }
0x50: {  	v17 =	vadd.f32 v23, v17;
	v26 =	vld [tilespmem:s8+$0xFFFFF800];
	v18 =	vadd.f32 v21, v18;
	v14 =	vmul.f32 v42, v14  }
0x51: {  	v16 =	vadd.f32 v34, v16;
	v21 =	vadd.f32 v35, v22;
	v27 =	vld [tilespmem:s8+$0x1800];
	v11 =	vmul.f32 v33, v11  }
0x52: {  	v15 =	vadd.f32 v15, v17;
	v28 =	vld [tilespmem:s8+$0xFFFFF810];
	v14 =	vadd.f32 v14, v18;
	v10 =	vmul.f32 v36, v10  }
0x53: {  	v16 =	vadd.f32 v19, v16;
	v17 =	vadd.f32 v20, v21;
	v29 =	vld [tilespmem:s8+$0x1810];
	v9 =	vmul.f32 v24, v9  }
0x54: {  	v11 =	vadd.f32 v11, v15;
	v19 =	vld [tilespmem:s8+$0xFFFFF820];
	v10 =	vadd.f32 v10, v14;
	v5 =	vmul.f32 v25, v5  }
0x55: {  	v16 =	vadd.f32 v12, v16;
	v22 =	vadd.f32 v13, v17;
	v20 =	vld [tilespmem:s8+$0x1820]  }
0x56: {  	v12 =	vmov s9;
	v17 =	vadd.f32 v9, v11;
	v30 =	vld [tilespmem:s8+$0xFFFFF000];
	v18 =	vadd.f32 v5, v10  }
0x57: {  	v5 =	vand.u32 $0xF, v12;
	v31 =	vld [tilespmem:s8+$0x1000]  }
0x58: {  	v12 =	vbroadcast v5, $0x0;
	v32 =	vld [tilespmem:s8+$0xFFFFF010]  }
0x59: {  	v33 =	vld [tilespmem:s8+$0x1010]  }
0x5a: {  	v9 =	vperm.xlane v3, v12;
	v5 =	vperm.xlane v8, v12;
	v34 =	vld [tilespmem:s8+$0xFFFFF020]  }
0x5b: {  	v11 =	vperm.xlane v2, v12;
	v10 =	vperm.xlane v7, v12;
	v35 =	vld [tilespmem:s8+$0x1020]  }
0x5c: {  	v15 =	vperm.xlane v1, v12;
	v14 =	vperm.xlane v6, v12;
	v36 =	vld [tilespmem:s8+$0xFFFFE800]  }
0x5d: {  	v23 =	vperm.xlane v0, v12;
	v21 =	vperm.xlane v4, v12;
	v38 =	vld [tilespmem:s8+$0x800]  }
0x5e: {  	v24 =	vmul.f32 v26, v9;
	v25 =	vmul.f32 v27, v5;
	v40 =	vld [tilespmem:s8+$0xFFFFE000]  }
0x5f: {  	v26 =	vmul.f32 v28, v9;
	v27 =	vmul.f32 v29, v5;
	v41 =	vld [tilespmem:s8+$0x0]  }
0x60: {  	v12 =	vmul.f32 v19, v9;
	v13 =	vmul.f32 v20, v5;
	v42 =	vld [tilespmem:s8+$0xFFFFE010]  }
0x61: {  	v28 =	vmul.f32 v30, v11;
	v29 =	vmul.f32 v31, v10;
	v45 =	vld [tilespmem:s8+$0x10]  }
0x62: {  	v30 =	vmul.f32 v32, v11;
	v31 =	vmul.f32 v33, v10;
	v46 =	vld [tilespmem:s8+$0xFFFFE810]  }
0x63: {  	v19 =	vmul.f32 v34, v11;
	v20 =	vmul.f32 v35, v10;
	v47 =	vld [tilespmem:s8+$0x810]  }
.Ltmp1:
0x64: {  	v32 =	vmul.f32 v36, v15;
	v33 =	vmul.f32 v38, v14;
	v34 =	vld [tilespmem:s8+$0xFFFFE820];
	(pc) =	sbr.rel @p0 .LBB2_3-.Ltmp1, $4  }
0x65: {  	v36 =	vmul.f32 v40, v23;
	v41 =	vmul.f32 v41, v21;
	v35 =	vld [tilespmem:s8+$0x820]  }
0x66: {  	v42 =	vmul.f32 v42, v23;
	v45 =	vmul.f32 v45, v21;
	v38 =	vld [tilespmem:s8+$0xFFFFE020]  }
0x67: {  	v40 =	vadd.f32 v36, v37;
	v41 =	vadd.f32 v41, v39;
	v36 =	vld [tilespmem:s8+$0x20];
	v39 =	vmul.f32 v46, v15  }
0x68: {  	s9 =	sadd.s32 $0x1, s9;
	v42 =	vadd.f32 v42, v43;
	v43 =	vadd.f32 v45, v44;
	v37 =	vld [tilespmem:s8+$0xFFFFE030];
	v44 =	vmul.f32 v47, v14  }
0x69: {  	v1 =	vadd.f32 v32, v40;
	v2 =	vadd.f32 v33, v41  }
0x6a: {  	v0 =	vld [tilespmem:s8+$0x30];
	v4 =	vadd.f32 v39, v42;
	v6 =	vadd.f32 v44, v43  }
0x6b: {  	v3 =	vmul.f32 v34, v15;
	v1 =	vadd.f32 v28, v1;
	v2 =	vadd.f32 v29, v2  }
0x6c: {  	v8 =	vld [tilespmem:s8+$0xFFFFE830];
	v52 =	vmul.f32 v38, v23;
	v4 =	vadd.f32 v30, v4;
	v6 =	vadd.f32 v31, v6  }
0x6d: {  	v53 =	vld [tilespmem:s8+$0x830];
	v54 =	vmul.f32 v36, v21;
	v1 =	vadd.f32 v24, v1;
	v2 =	vadd.f32 v25, v2  }
0x6e: {  	v55 =	vld [tilespmem:s8+$0xFFFFF030];
	v56 =	vmul.f32 v37, v23;
	v16 =	vadd.f32 v52, v16;
	v4 =	vadd.f32 v26, v4  }
0x6f: {  	v57 =	vld [tilespmem:s8+$0x1030];
	v0 =	vmul.f32 v0, v21;
	v6 =	vadd.f32 v27, v6;
	v22 =	vadd.f32 v54, v22  }
0x70: {  	v58 =	vld [tilespmem:s8+$0xFFFFF830];
	v7 =	vmul.f32 v35, v14;
	v17 =	vadd.f32 v56, v17;
	v3 =	vadd.f32 v3, v16  }
0x71: {  	v59 =	vld [tilespmem:s8+$0x1830];
	v8 =	vmul.f32 v8, v15;
	v1 =	vsub.f32 v1, v2;
	v0 =	vadd.f32 v0, v18  }
0x72: {  	v60 =	vmul.f32 v53, v14;
	v7 =	vadd.f32 v7, v22;
	v61 =	vsub.f32 v4, v6  }
0x73: {  	v11 =	vmul.f32 v55, v11;
	v8 =	vadd.f32 v8, v17;
	v3 =	vadd.f32 v19, v3  }
0x74: {  	v10 =	vmul.f32 v57, v10;
	v0 =	vadd.f32 v60, v0;
	v7 =	vadd.f32 v20, v7  }
0x75: {  	v9 =	vmul.f32 v58, v9;
	v8 =	vadd.f32 v11, v8;
	v3 =	vadd.f32 v12, v3  }
0x76: {  	v5 =	vmul.f32 v59, v5;
	v0 =	vadd.f32 v10, v0;
	v7 =	vadd.f32 v13, v7  }
0x77: {  	v1 =	vmul.f32 v1, v1;
	v62 =	vadd.f32 v9, v8  }
0x78: {  	v2 =	vmul.f32 v61, v61;
	v0 =	vadd.f32 v5, v0;
	v3 =	vsub.f32 v3, v7;
	_ =	sdelay $0x1  }
0x79: {  	s31 =	sshll.u32 s7, $0x7;
	s7 =	sadd.s32 $0x1, s7;
	v1 =	vadd.f32 v2, v1;
	v63 =	vmul.f32 v3, v3;
	v0 =	vsub.f32 v62, v0  }
0x7a: {  	p0 =	sne.s32 s7, $0x8  }
.Ltmp2:
0x7b: {  	v1 =	vadd.f32 v63, v1;
	v0 =	vmul.f32 v0, v0;
	(pc) =	sbr.rel @p0 .LBB2_2-.Ltmp2, $4  }
0x7c: {  	_ = 	snop  }
0x7d: {  	v0 =	vadd.f32 v0, v1  }
0x7e: {  	s8 =	sand.u32 $0x3FFFFF80, s31  }
0x7f: {  	s2 =	sadd.s32 $0x1, s2;
	[tilespmem:s8+$0x14800] =	vst v0  }
.LBB2_5:
0x80: {  	s2 =	simm.s32 $0x0;
	s5 =	simm.s32 $0x14800  }
0x81: {  	[hbm4b:s4+s2] =	stream.linear.scatter [tilespmem:s5], [sflag:$0x1], $0x400, $0x38;
	[tilespmem:$0x14C00] =	vst v63  }
0x82: {  	_ =	swait.ge [sflag:s1], $0x400  }
0x83: {  	[sflag:s1] =	ssyncset.done $0x0  }
0x84: {  	[sflag:s1] =	ssyncadd.s32 $0xFFFFFC00  }
0x85: {  	_ =	sfence.sel $0x180000  }
0x86: {  	[bflag:$0x0] =	sbarrier.arrive $0xFFFF  }
0x87: {  	p0 =	sne.s32 s3, $0x0;
	_ =	strace $0x90000047  }
0x88: {  	s0 =	sadd.s32 @!p0 $0x100000, s0;
	[bflag:$0x2] =	sbarrier.arrive $0xFFFF  }
0x89: {  	[sflag:s0] =	ssyncadd.tile.s32 @!p0 $0x1;
	_ =	shalt  }
.Lfunc_end2:
_tile_overlayer_lowered:
.L_overlay_start_2:
0x8a: {  	(tag) =	ssettag $0x2  }
0x8b: {  	s0 =	rddreg [dreg:$0x0];
	s2 =	stileid.u32  }
0x8c: {  	s1 =	rddreg [dreg:$0x1];
	p0 =	sne.s32 s2, $0x0  }
0x8d: {  	s3 =	rddreg [dreg:$0x2];
	[bflag:$0x3] =	sbarrier.arrive $0xFFFF;
	s2 =	simm.s32 @!p0 $0x1C01  }
0x8e: {  	[timem:s3], [sflag:s2] =	dma.local @!p0 [hbm:s0], s1  }
0x8f: {  	s0 =	simm.s32 @!p0 $0x1  }
0x90: {  	_ =	swait.ge @!p0 [sflag:s0], s1  }
0x91: {  	s1 =	ssub.s32 @!p0 $0x0, s1;
	[sflag:s0] =	ssyncset.done @!p0 $0x0  }
0x92: {  	[sflag:s0] =	ssyncadd.s32 @!p0 s1  }
0x93: {  	[bflag:$0x3] =	sbarrier.arrive $0xFFFF  }
0x94: {  	_ =	shalt  }

</sc_bundles>
